<compile_context>
chip_gen: v7x
topology: tpu7x:2x2x1
jax: 0.10.2.dev20260603
libtpu: 0.0.44.dev20260713+nightly
codegen_flags: <defaults>
</compile_context>

<pallas_src>
import functools

import jax
import jax.numpy as jnp
from jax import lax
from jax.experimental import pallas as pl
from jax.experimental.pallas import tpu as pltpu
from jax.experimental.pallas import tpu_sc as plsc

NC = 2
NS = 16
NW = NC * NS

G = 100


def _make_kernel(B, L, V, D):
  chunk_seq = 2
  N = B * L
  rows_per_worker = N // NW
  chunk_rows = chunk_seq * L
  n_chunks = rows_per_worker // chunk_rows
  subg = chunk_rows // G
  idx_rows = rows_per_worker // G
  nseg = D // 16

  mesh = plsc.VectorSubcoreMesh(
      core_axis_name="c", subcore_axis_name="s", num_cores=NC,
      num_subcores=NS)

  @functools.partial(
      pl.kernel,
      out_type=jax.ShapeDtypeStruct((N, 2 * D), jnp.float32),
      mesh=mesh,
      scratch_types=[
          pltpu.VMEM((idx_rows, G), jnp.int32),
          pltpu.VMEM((2, chunk_rows, D), jnp.float32),
          pltpu.VMEM((L, D), jnp.float32),
          pltpu.SemaphoreType.DMA((2,)),
          pltpu.SemaphoreType.DMA((2,)),
      ],
      compiler_params=pltpu.CompilerParams(use_tc_tiling_on_sc=False),
  )
  def k(idx_hbm, tok_hbm, pos_hbm, out_hbm, idx_v, rows_v, pos_v, gsem, ssem):
    cid = lax.axis_index("c")
    sid = lax.axis_index("s")
    wid = sid * NC + cid
    base_row = wid * rows_per_worker
    pltpu.sync_copy(pos_hbm, pos_v)
    pltpu.sync_copy(idx_hbm.at[pl.ds(wid * idx_rows, idx_rows)], idx_v)

    def fire(c, buf):
      for j in range(subg):
        pltpu.async_copy(tok_hbm.at[idx_v.at[c * subg + j]],
                         rows_v.at[buf, pl.ds(j * G, G)], gsem.at[buf])

    def drain_gather(buf):
      pltpu.make_async_copy(tok_hbm.at[pl.ds(0, chunk_rows)],
                            rows_v.at[buf], gsem.at[buf]).wait()

    def drain_store(buf):
      pltpu.make_async_copy(rows_v.at[buf],
                            out_hbm.at[pl.ds(0, chunk_rows), pl.ds(0, D)],
                            ssem.at[buf]).wait()

    fire(0, 0)

    def body(c, carry):
      buf = lax.rem(c, 2)
      nbuf = 1 - buf

      @pl.when(c > 0)
      def _():
        drain_store(nbuf)

      @pl.when(c < n_chunks - 1)
      def _():
        fire(c + 1, nbuf)

      drain_gather(buf)

      @plsc.parallel_loop(0, L, 1, unroll=8)
      def _(l):
        for seg in range(nseg):
          p = pos_v[l, pl.ds(seg * 16, 16)]
          for s in range(chunk_seq):
            plsc.addupdate(rows_v.at[buf, s * L + l, pl.ds(seg * 16, 16)], p)

      pltpu.async_copy(
          rows_v.at[buf],
          out_hbm.at[pl.ds(base_row + c * chunk_rows, chunk_rows), pl.ds(0, D)],
          ssem.at[buf])
      return carry

    lax.fori_loop(0, n_chunks, body, 0)
    drain_store((n_chunks - 1) % 2)

  return k


def kernel(seq, token_table, pos_table):
  B, L = seq.shape
  V, D = token_table.shape
  N = B * L
  idx = seq.reshape(N // G, G).astype(jnp.int32)
  k = _make_kernel(B, L, V, D)
  out = k(idx, token_table, pos_table)
  return out[:, :D].reshape(B, L, D)

# --- scband reference (transcript-rebuilt; emitter-appended) ---
"""Pipeline reference for scband-seq-embedding-3478923510291 (READ-ONLY COPY).

The authoritative reference and input builder live on the scoring server;
editing this copy changes nothing except your own understanding.
"""

import jax, jax.numpy as jnp
import numpy as np

VOCAB = 100000
MAX_LEN = 200
DEPTH = 64
BATCH = 4096

def setup_inputs(seed: int = 0) -> dict:
    key = jax.random.key(seed)
    k1, k2, k3 = jax.random.split(key, 3)
    seq = jax.random.randint(k1, (BATCH, MAX_LEN), 0, VOCAB, dtype=jnp.int64 if jax.config.jax_enable_x64 else jnp.int32)
    token_table = jax.random.normal(k2, (VOCAB, DEPTH), dtype=jnp.float32) * 0.05
    pos_table = jax.random.normal(k3, (MAX_LEN, DEPTH), dtype=jnp.float32) * 0.05
    return {"seq": seq, "token_table": token_table, "pos_table": pos_table}

def reference(seq, token_table, pos_table):
    # token embedding lookup (mask_zero only affects Keras masking metadata, not values)
    tok = jnp.take(token_table, seq, axis=0)            # [B, L, D]
    L = seq.shape[1]
    pos_idx = jnp.arange(L)[None, :]                    # [1, L]
    pos = jnp.take(pos_table, pos_idx, axis=0)          # [1, L, D]
    return tok + pos                                    # broadcast add -> [B, L, D]

if __name__ == "__main__":
    import jax
    _d = setup_inputs()
    print(jax.jit(kernel)(*tuple(_d.values())))

</pallas_src>

<mosaic_0001>
#map = affine_map<(d0, d1) -> (0, 0)>
module attributes {stable_mosaic.version = 14 : i64} {
  func.func @k(%arg0: i32, %arg1: i32, %arg2: memref<8192x100xi32, #tpu.memory_space<hbm>>, %arg3: memref<100000x64xf32, #tpu.memory_space<hbm>>, %arg4: memref<200x64xf32, #tpu.memory_space<hbm>>, %arg5: memref<819200x128xf32, #tpu.memory_space<hbm>>, %arg6: memref<256x100xi32, #tpu.memory_space<vmem>>, %arg7: memref<2x400x64xf32, #tpu.memory_space<vmem>>, %arg8: memref<200x64xf32, #tpu.memory_space<vmem>>, %arg9: memref<2x!tpu.dma_semaphore, #tpu.memory_space<semaphore_mem>>, %arg10: memref<2x!tpu.dma_semaphore, #tpu.memory_space<semaphore_mem>>) attributes {dimension_semantics = [#tpu.dimension_semantics<core_parallel>, #tpu.dimension_semantics<subcore_parallel>], iteration_bounds = array<i64: 2, 16>, scalar_prefetch = 0 : i64, scratch_operands = 5 : i64, tpu.core_type = #tpu.core_type<sc_vector_subcore>, window_params = [{transform_indices = #map}, {transform_indices = #map}, {transform_indices = #map}, {transform_indices = #map}]} {
    %mul3A = arith.constant 2 : i32
    %mul3A_0 = arith.muli %arg1, %mul3A : i32
    %add3A = arith.addi %mul3A_0, %arg0 : i32
    %mul3A_1 = arith.constant 25600 : i32
    %mul3A_2 = arith.muli %add3A, %mul3A_1 : i32
    "tpu.region"() ({
      %run_scoped3A = tpu.sem_alloc : memref<!tpu.dma_semaphore, #tpu.memory_space<semaphore_mem>>
      tpu.enqueue_dma source(%arg4 : memref<200x64xf32, #tpu.memory_space<hbm>>) target(%arg8 : memref<200x64xf32, #tpu.memory_space<vmem>>) target_semaphore(%run_scoped3A : memref<!tpu.dma_semaphore, #tpu.memory_space<semaphore_mem>>)
      tpu.wait_dma2 semaphore(%run_scoped3A : memref<!tpu.dma_semaphore, #tpu.memory_space<semaphore_mem>>) src(%arg4 : memref<200x64xf32, #tpu.memory_space<hbm>>) dst(%arg8 : memref<200x64xf32, #tpu.memory_space<vmem>>)
      tpu.yield
    }) : () -> ()
    %mul3A_3 = arith.constant 256 : i32
    %mul3A_4 = arith.muli %add3A, %mul3A_3 : i32
    "tpu.region"() ({
      %run_scoped3A = tpu.sem_alloc : memref<!tpu.dma_semaphore, #tpu.memory_space<semaphore_mem>>
      %dma_start3A_86 = arith.constant 0 : i32
      %dma_start3A_87 = tpu.memref_slice %arg2[%mul3A_4, %dma_start3A_86] : memref<8192x100xi32, #tpu.memory_space<hbm>> -> memref<256x100xi32, #tpu.memory_space<hbm>>
      %dma_start3A_88 = arith.constant 0 : i32
      %dma_start3A_89 = tpu.memref_slice %arg2[%mul3A_4, %dma_start3A_88] : memref<8192x100xi32, #tpu.memory_space<hbm>> -> memref<256x100xi32, #tpu.memory_space<hbm>>
      tpu.enqueue_dma source(%dma_start3A_89 : memref<256x100xi32, #tpu.memory_space<hbm>>) target(%arg6 : memref<256x100xi32, #tpu.memory_space<vmem>>) target_semaphore(%run_scoped3A : memref<!tpu.dma_semaphore, #tpu.memory_space<semaphore_mem>>)
      %dma_wait3A_90 = arith.constant 0 : i32
      %dma_wait3A_91 = tpu.memref_slice %arg2[%mul3A_4, %dma_wait3A_90] : memref<8192x100xi32, #tpu.memory_space<hbm>> -> memref<256x100xi32, #tpu.memory_space<hbm>>
      %dma_wait3A_92 = arith.constant 0 : i32
      %dma_wait3A_93 = tpu.memref_slice %arg2[%mul3A_4, %dma_wait3A_92] : memref<8192x100xi32, #tpu.memory_space<hbm>> -> memref<256x100xi32, #tpu.memory_space<hbm>>
      tpu.wait_dma2 semaphore(%run_scoped3A : memref<!tpu.dma_semaphore, #tpu.memory_space<semaphore_mem>>) src(%dma_wait3A_93 : memref<256x100xi32, #tpu.memory_space<hbm>>) dst(%arg6 : memref<256x100xi32, #tpu.memory_space<vmem>>)
      tpu.yield
    }) : () -> ()
    %dma_start3A = arith.constant 0 : i32
    %dma_start3A_5 = arith.constant 0 : i32
    %dma_start3A_6 = arith.constant 0 : i32
    %dma_start3A_7 = arith.constant 0 : i32
    %dma_start3A_8 = arith.constant 0 : i32
    %dma_start3A_9 = tpu.memref_slice %arg7[%dma_start3A_5, %dma_start3A_7, %dma_start3A_8] : memref<2x400x64xf32, #tpu.memory_space<vmem>> -> memref<1x100x64xf32, #tpu.memory_space<vmem>>
    %dma_start3A_10 = tpu.memref_squeeze %dma_start3A_9 : memref<1x100x64xf32, #tpu.memory_space<vmem>> -> memref<100x64xf32, #tpu.memory_space<vmem>>
    %dma_start3A_11 = arith.constant 0 : i32
    %dma_start3A_12 = tpu.memref_slice %arg6[%dma_start3A, %dma_start3A_11] : memref<256x100xi32, #tpu.memory_space<vmem>> -> memref<1x100xi32, #tpu.memory_space<vmem>>
    %dma_start3A_13 = tpu.memref_squeeze %dma_start3A_12 : memref<1x100xi32, #tpu.memory_space<vmem>> -> memref<100xi32, #tpu.memory_space<vmem>>
    %dma_start3A_14 = arith.constant 0 : i32
    %dma_start3A_15 = arith.constant 0 : i32
    %dma_start3A_16 = tpu.memref_slice %arg3[%dma_start3A_14, %dma_start3A_15] : memref<100000x64xf32, #tpu.memory_space<hbm>> -> memref<100000x64xf32, #tpu.memory_space<hbm>>
    %dma_start3A_17 = tpu.memref_slice %arg9[%dma_start3A_6] : memref<2x!tpu.dma_semaphore, #tpu.memory_space<semaphore_mem>> -> memref<1x!tpu.dma_semaphore, #tpu.memory_space<semaphore_mem>>
    %dma_start3A_18 = tpu.memref_squeeze %dma_start3A_17 : memref<1x!tpu.dma_semaphore, #tpu.memory_space<semaphore_mem>> -> memref<!tpu.dma_semaphore, #tpu.memory_space<semaphore_mem>>
    tpu.enqueue_indirect_dma source(%dma_start3A_16 : memref<100000x64xf32, #tpu.memory_space<hbm>>) target(%dma_start3A_10 : memref<100x64xf32, #tpu.memory_space<vmem>>) offsets(%dma_start3A_13 : memref<100xi32, #tpu.memory_space<vmem>>) semaphore(%dma_start3A_18 : memref<!tpu.dma_semaphore, #tpu.memory_space<semaphore_mem>>)
    %dma_start3A_19 = arith.constant 1 : i32
    %dma_start3A_20 = arith.constant 0 : i32
    %dma_start3A_21 = arith.constant 0 : i32
    %dma_start3A_22 = arith.constant 100 : i32
    %dma_start3A_23 = arith.constant 0 : i32
    %dma_start3A_24 = tpu.memref_slice %arg7[%dma_start3A_20, %dma_start3A_22, %dma_start3A_23] : memref<2x400x64xf32, #tpu.memory_space<vmem>> -> memref<1x100x64xf32, #tpu.memory_space<vmem>>
    %dma_start3A_25 = tpu.memref_squeeze %dma_start3A_24 : memref<1x100x64xf32, #tpu.memory_space<vmem>> -> memref<100x64xf32, #tpu.memory_space<vmem>>
    %dma_start3A_26 = arith.constant 0 : i32
    %dma_start3A_27 = tpu.memref_slice %arg6[%dma_start3A_19, %dma_start3A_26] : memref<256x100xi32, #tpu.memory_space<vmem>> -> memref<1x100xi32, #tpu.memory_space<vmem>>
    %dma_start3A_28 = tpu.memref_squeeze %dma_start3A_27 : memref<1x100xi32, #tpu.memory_space<vmem>> -> memref<100xi32, #tpu.memory_space<vmem>>
    %dma_start3A_29 = arith.constant 0 : i32
    %dma_start3A_30 = arith.constant 0 : i32
    %dma_start3A_31 = tpu.memref_slice %arg3[%dma_start3A_29, %dma_start3A_30] : memref<100000x64xf32, #tpu.memory_space<hbm>> -> memref<100000x64xf32, #tpu.memory_space<hbm>>
    %dma_start3A_32 = tpu.memref_slice %arg9[%dma_start3A_21] : memref<2x!tpu.dma_semaphore, #tpu.memory_space<semaphore_mem>> -> memref<1x!tpu.dma_semaphore, #tpu.memory_space<semaphore_mem>>
    %dma_start3A_33 = tpu.memref_squeeze %dma_start3A_32 : memref<1x!tpu.dma_semaphore, #tpu.memory_space<semaphore_mem>> -> memref<!tpu.dma_semaphore, #tpu.memory_space<semaphore_mem>>
    tpu.enqueue_indirect_dma source(%dma_start3A_31 : memref<100000x64xf32, #tpu.memory_space<hbm>>) target(%dma_start3A_25 : memref<100x64xf32, #tpu.memory_space<vmem>>) offsets(%dma_start3A_28 : memref<100xi32, #tpu.memory_space<vmem>>) semaphore(%dma_start3A_33 : memref<!tpu.dma_semaphore, #tpu.memory_space<semaphore_mem>>)
    %dma_start3A_34 = arith.constant 2 : i32
    %dma_start3A_35 = arith.constant 0 : i32
    %dma_start3A_36 = arith.constant 0 : i32
    %dma_start3A_37 = arith.constant 200 : i32
    %dma_start3A_38 = arith.constant 0 : i32
    %dma_start3A_39 = tpu.memref_slice %arg7[%dma_start3A_35, %dma_start3A_37, %dma_start3A_38] : memref<2x400x64xf32, #tpu.memory_space<vmem>> -> memref<1x100x64xf32, #tpu.memory_space<vmem>>
    %dma_start3A_40 = tpu.memref_squeeze %dma_start3A_39 : memref<1x100x64xf32, #tpu.memory_space<vmem>> -> memref<100x64xf32, #tpu.memory_space<vmem>>
    %dma_start3A_41 = arith.constant 0 : i32
    %dma_start3A_42 = tpu.memref_slice %arg6[%dma_start3A_34, %dma_start3A_41] : memref<256x100xi32, #tpu.memory_space<vmem>> -> memref<1x100xi32, #tpu.memory_space<vmem>>
    %dma_start3A_43 = tpu.memref_squeeze %dma_start3A_42 : memref<1x100xi32, #tpu.memory_space<vmem>> -> memref<100xi32, #tpu.memory_space<vmem>>
    %dma_start3A_44 = arith.constant 0 : i32
    %dma_start3A_45 = arith.constant 0 : i32
    %dma_start3A_46 = tpu.memref_slice %arg3[%dma_start3A_44, %dma_start3A_45] : memref<100000x64xf32, #tpu.memory_space<hbm>> -> memref<100000x64xf32, #tpu.memory_space<hbm>>
    %dma_start3A_47 = tpu.memref_slice %arg9[%dma_start3A_36] : memref<2x!tpu.dma_semaphore, #tpu.memory_space<semaphore_mem>> -> memref<1x!tpu.dma_semaphore, #tpu.memory_space<semaphore_mem>>
    %dma_start3A_48 = tpu.memref_squeeze %dma_start3A_47 : memref<1x!tpu.dma_semaphore, #tpu.memory_space<semaphore_mem>> -> memref<!tpu.dma_semaphore, #tpu.memory_space<semaphore_mem>>
    tpu.enqueue_indirect_dma source(%dma_start3A_46 : memref<100000x64xf32, #tpu.memory_space<hbm>>) target(%dma_start3A_40 : memref<100x64xf32, #tpu.memory_space<vmem>>) offsets(%dma_start3A_43 : memref<100xi32, #tpu.memory_space<vmem>>) semaphore(%dma_start3A_48 : memref<!tpu.dma_semaphore, #tpu.memory_space<semaphore_mem>>)
    %dma_start3A_49 = arith.constant 3 : i32
    %dma_start3A_50 = arith.constant 0 : i32
    %dma_start3A_51 = arith.constant 0 : i32
    %dma_start3A_52 = arith.constant 300 : i32
    %dma_start3A_53 = arith.constant 0 : i32
    %dma_start3A_54 = tpu.memref_slice %arg7[%dma_start3A_50, %dma_start3A_52, %dma_start3A_53] : memref<2x400x64xf32, #tpu.memory_space<vmem>> -> memref<1x100x64xf32, #tpu.memory_space<vmem>>
    %dma_start3A_55 = tpu.memref_squeeze %dma_start3A_54 : memref<1x100x64xf32, #tpu.memory_space<vmem>> -> memref<100x64xf32, #tpu.memory_space<vmem>>
    %dma_start3A_56 = arith.constant 0 : i32
    %dma_start3A_57 = tpu.memref_slice %arg6[%dma_start3A_49, %dma_start3A_56] : memref<256x100xi32, #tpu.memory_space<vmem>> -> memref<1x100xi32, #tpu.memory_space<vmem>>
    %dma_start3A_58 = tpu.memref_squeeze %dma_start3A_57 : memref<1x100xi32, #tpu.memory_space<vmem>> -> memref<100xi32, #tpu.memory_space<vmem>>
    %dma_start3A_59 = arith.constant 0 : i32
    %dma_start3A_60 = arith.constant 0 : i32
    %dma_start3A_61 = tpu.memref_slice %arg3[%dma_start3A_59, %dma_start3A_60] : memref<100000x64xf32, #tpu.memory_space<hbm>> -> memref<100000x64xf32, #tpu.memory_space<hbm>>
    %dma_start3A_62 = tpu.memref_slice %arg9[%dma_start3A_51] : memref<2x!tpu.dma_semaphore, #tpu.memory_space<semaphore_mem>> -> memref<1x!tpu.dma_semaphore, #tpu.memory_space<semaphore_mem>>
    %dma_start3A_63 = tpu.memref_squeeze %dma_start3A_62 : memref<1x!tpu.dma_semaphore, #tpu.memory_space<semaphore_mem>> -> memref<!tpu.dma_semaphore, #tpu.memory_space<semaphore_mem>>
    tpu.enqueue_indirect_dma source(%dma_start3A_61 : memref<100000x64xf32, #tpu.memory_space<hbm>>) target(%dma_start3A_55 : memref<100x64xf32, #tpu.memory_space<vmem>>) offsets(%dma_start3A_58 : memref<100xi32, #tpu.memory_space<vmem>>) semaphore(%dma_start3A_63 : memref<!tpu.dma_semaphore, #tpu.memory_space<semaphore_mem>>)
    %scan3A = arith.constant 0 : i32
    %scan3A_64 = arith.constant 0 : i32
    %scan3A_65 = arith.constant 64 : i32
    %scan3A_66 = arith.addi %scan3A_64, %scan3A_65 : i32
    %scan3A_67 = arith.constant 1 : i32
    scf.for %scan3A_86 = %scan3A_64 to %scan3A_66 step %scan3A_67  : i32 {
      %rem3A = arith.constant 2 : i32
      %rem3A_87 = arith.remsi %scan3A_86, %rem3A : i32
      %sub3A = arith.constant 1 : i32
      %sub3A_88 = arith.subi %sub3A, %rem3A_87 : i32
      %gt3A = arith.constant 0 : i32
      %gt3A_89 = arith.cmpi sgt, %scan3A_86, %gt3A : i32
      %convert_element_type3A = arith.extui %gt3A_89 : i1 to i32
      %cond3A = arith.constant 0 : i32
      %cond3A_90 = arith.cmpi ne, %convert_element_type3A, %cond3A : i32
      scf.if %cond3A_90 {
        %dma_wait3A_130 = arith.constant 0 : i32
        %dma_wait3A_131 = arith.constant 0 : i32
        %dma_wait3A_132 = tpu.memref_slice %arg7[%sub3A_88, %dma_wait3A_130, %dma_wait3A_131] : memref<2x400x64xf32, #tpu.memory_space<vmem>> -> memref<1x400x64xf32, #tpu.memory_space<vmem>>
        %dma_wait3A_133 = tpu.memref_squeeze %dma_wait3A_132 : memref<1x400x64xf32, #tpu.memory_space<vmem>> -> memref<400x64xf32, #tpu.memory_space<vmem>>
        %dma_wait3A_134 = arith.constant 0 : i32
        %dma_wait3A_135 = arith.constant 0 : i32
        %dma_wait3A_136 = tpu.memref_slice %arg5[%dma_wait3A_134, %dma_wait3A_135] : memref<819200x128xf32, #tpu.memory_space<hbm>> -> memref<400x64xf32, #tpu.memory_space<hbm>>
        %dma_wait3A_137 = tpu.memref_slice %arg10[%sub3A_88] : memref<2x!tpu.dma_semaphore, #tpu.memory_space<semaphore_mem>> -> memref<1x!tpu.dma_semaphore, #tpu.memory_space<semaphore_mem>>
        %dma_wait3A_138 = tpu.memref_squeeze %dma_wait3A_137 : memref<1x!tpu.dma_semaphore, #tpu.memory_space<semaphore_mem>> -> memref<!tpu.dma_semaphore, #tpu.memory_space<semaphore_mem>>
        %dma_wait3A_139 = arith.constant 0 : i32
        %dma_wait3A_140 = arith.constant 0 : i32
        %dma_wait3A_141 = tpu.memref_slice %arg5[%dma_wait3A_139, %dma_wait3A_140] : memref<819200x128xf32, #tpu.memory_space<hbm>> -> memref<400x64xf32, #tpu.memory_space<hbm>>
        %dma_wait3A_142 = arith.constant 0 : i32
        %dma_wait3A_143 = arith.constant 0 : i32
        %dma_wait3A_144 = tpu.memref_slice %arg7[%sub3A_88, %dma_wait3A_142, %dma_wait3A_143] : memref<2x400x64xf32, #tpu.memory_space<vmem>> -> memref<1x400x64xf32, #tpu.memory_space<vmem>>
        %dma_wait3A_145 = tpu.memref_squeeze %dma_wait3A_144 : memref<1x400x64xf32, #tpu.memory_space<vmem>> -> memref<400x64xf32, #tpu.memory_space<vmem>>
        tpu.wait_dma2 semaphore(%dma_wait3A_138 : memref<!tpu.dma_semaphore, #tpu.memory_space<semaphore_mem>>) src(%dma_wait3A_145 : memref<400x64xf32, #tpu.memory_space<vmem>>) dst(%dma_wait3A_141 : memref<400x64xf32, #tpu.memory_space<hbm>>)
      } else {
      }
      %lt3A = arith.constant 63 : i32
      %lt3A_91 = arith.cmpi slt, %scan3A_86, %lt3A : i32
      %convert_element_type3A_92 = arith.extui %lt3A_91 : i1 to i32
      %cond3A_93 = arith.constant 0 : i32
      %cond3A_94 = arith.cmpi ne, %convert_element_type3A_92, %cond3A_93 : i32
      scf.if %cond3A_94 {
        %add3A_130 = arith.constant 1 : i32
        %add3A_131 = arith.addi %scan3A_86, %add3A_130 : i32
        %mul3A_132 = arith.constant 4 : i32
        %mul3A_133 = arith.muli %add3A_131, %mul3A_132 : i32
        %add3A_134 = arith.constant 0 : i32
        %add3A_135 = arith.addi %mul3A_133, %add3A_134 : i32
        %dma_start3A_136 = arith.constant 0 : i32
        %dma_start3A_137 = arith.constant 0 : i32
        %dma_start3A_138 = tpu.memref_slice %arg7[%sub3A_88, %dma_start3A_136, %dma_start3A_137] : memref<2x400x64xf32, #tpu.memory_space<vmem>> -> memref<1x100x64xf32, #tpu.memory_space<vmem>>
        %dma_start3A_139 = tpu.memref_squeeze %dma_start3A_138 : memref<1x100x64xf32, #tpu.memory_space<vmem>> -> memref<100x64xf32, #tpu.memory_space<vmem>>
        %dma_start3A_140 = arith.constant 0 : i32
        %dma_start3A_141 = tpu.memref_slice %arg6[%add3A_135, %dma_start3A_140] : memref<256x100xi32, #tpu.memory_space<vmem>> -> memref<1x100xi32, #tpu.memory_space<vmem>>
        %dma_start3A_142 = tpu.memref_squeeze %dma_start3A_141 : memref<1x100xi32, #tpu.memory_space<vmem>> -> memref<100xi32, #tpu.memory_space<vmem>>
        %dma_start3A_143 = arith.constant 0 : i32
        %dma_start3A_144 = arith.constant 0 : i32
        %dma_start3A_145 = tpu.memref_slice %arg3[%dma_start3A_143, %dma_start3A_144] : memref<100000x64xf32, #tpu.memory_space<hbm>> -> memref<100000x64xf32, #tpu.memory_space<hbm>>
        %dma_start3A_146 = tpu.memref_slice %arg9[%sub3A_88] : memref<2x!tpu.dma_semaphore, #tpu.memory_space<semaphore_mem>> -> memref<1x!tpu.dma_semaphore, #tpu.memory_space<semaphore_mem>>
        %dma_start3A_147 = tpu.memref_squeeze %dma_start3A_146 : memref<1x!tpu.dma_semaphore, #tpu.memory_space<semaphore_mem>> -> memref<!tpu.dma_semaphore, #tpu.memory_space<semaphore_mem>>
        tpu.enqueue_indirect_dma source(%dma_start3A_145 : memref<100000x64xf32, #tpu.memory_space<hbm>>) target(%dma_start3A_139 : memref<100x64xf32, #tpu.memory_space<vmem>>) offsets(%dma_start3A_142 : memref<100xi32, #tpu.memory_space<vmem>>) semaphore(%dma_start3A_147 : memref<!tpu.dma_semaphore, #tpu.memory_space<semaphore_mem>>)
        %mul3A_148 = arith.constant 4 : i32
        %mul3A_149 = arith.muli %add3A_131, %mul3A_148 : i32
        %add3A_150 = arith.constant 1 : i32
        %add3A_151 = arith.addi %mul3A_149, %add3A_150 : i32
        %dma_start3A_152 = arith.constant 100 : i32
        %dma_start3A_153 = arith.constant 0 : i32
        %dma_start3A_154 = tpu.memref_slice %arg7[%sub3A_88, %dma_start3A_152, %dma_start3A_153] : memref<2x400x64xf32, #tpu.memory_space<vmem>> -> memref<1x100x64xf32, #tpu.memory_space<vmem>>
        %dma_start3A_155 = tpu.memref_squeeze %dma_start3A_154 : memref<1x100x64xf32, #tpu.memory_space<vmem>> -> memref<100x64xf32, #tpu.memory_space<vmem>>
        %dma_start3A_156 = arith.constant 0 : i32
        %dma_start3A_157 = tpu.memref_slice %arg6[%add3A_151, %dma_start3A_156] : memref<256x100xi32, #tpu.memory_space<vmem>> -> memref<1x100xi32, #tpu.memory_space<vmem>>
        %dma_start3A_158 = tpu.memref_squeeze %dma_start3A_157 : memref<1x100xi32, #tpu.memory_space<vmem>> -> memref<100xi32, #tpu.memory_space<vmem>>
        %dma_start3A_159 = arith.constant 0 : i32
        %dma_start3A_160 = arith.constant 0 : i32
        %dma_start3A_161 = tpu.memref_slice %arg3[%dma_start3A_159, %dma_start3A_160] : memref<100000x64xf32, #tpu.memory_space<hbm>> -> memref<100000x64xf32, #tpu.memory_space<hbm>>
        %dma_start3A_162 = tpu.memref_slice %arg9[%sub3A_88] : memref<2x!tpu.dma_semaphore, #tpu.memory_space<semaphore_mem>> -> memref<1x!tpu.dma_semaphore, #tpu.memory_space<semaphore_mem>>
        %dma_start3A_163 = tpu.memref_squeeze %dma_start3A_162 : memref<1x!tpu.dma_semaphore, #tpu.memory_space<semaphore_mem>> -> memref<!tpu.dma_semaphore, #tpu.memory_space<semaphore_mem>>
        tpu.enqueue_indirect_dma source(%dma_start3A_161 : memref<100000x64xf32, #tpu.memory_space<hbm>>) target(%dma_start3A_155 : memref<100x64xf32, #tpu.memory_space<vmem>>) offsets(%dma_start3A_158 : memref<100xi32, #tpu.memory_space<vmem>>) semaphore(%dma_start3A_163 : memref<!tpu.dma_semaphore, #tpu.memory_space<semaphore_mem>>)
        %mul3A_164 = arith.constant 4 : i32
        %mul3A_165 = arith.muli %add3A_131, %mul3A_164 : i32
        %add3A_166 = arith.constant 2 : i32
        %add3A_167 = arith.addi %mul3A_165, %add3A_166 : i32
        %dma_start3A_168 = arith.constant 200 : i32
        %dma_start3A_169 = arith.constant 0 : i32
        %dma_start3A_170 = tpu.memref_slice %arg7[%sub3A_88, %dma_start3A_168, %dma_start3A_169] : memref<2x400x64xf32, #tpu.memory_space<vmem>> -> memref<1x100x64xf32, #tpu.memory_space<vmem>>
        %dma_start3A_171 = tpu.memref_squeeze %dma_start3A_170 : memref<1x100x64xf32, #tpu.memory_space<vmem>> -> memref<100x64xf32, #tpu.memory_space<vmem>>
        %dma_start3A_172 = arith.constant 0 : i32
        %dma_start3A_173 = tpu.memref_slice %arg6[%add3A_167, %dma_start3A_172] : memref<256x100xi32, #tpu.memory_space<vmem>> -> memref<1x100xi32, #tpu.memory_space<vmem>>
        %dma_start3A_174 = tpu.memref_squeeze %dma_start3A_173 : memref<1x100xi32, #tpu.memory_space<vmem>> -> memref<100xi32, #tpu.memory_space<vmem>>
        %dma_start3A_175 = arith.constant 0 : i32
        %dma_start3A_176 = arith.constant 0 : i32
        %dma_start3A_177 = tpu.memref_slice %arg3[%dma_start3A_175, %dma_start3A_176] : memref<100000x64xf32, #tpu.memory_space<hbm>> -> memref<100000x64xf32, #tpu.memory_space<hbm>>
        %dma_start3A_178 = tpu.memref_slice %arg9[%sub3A_88] : memref<2x!tpu.dma_semaphore, #tpu.memory_space<semaphore_mem>> -> memref<1x!tpu.dma_semaphore, #tpu.memory_space<semaphore_mem>>
        %dma_start3A_179 = tpu.memref_squeeze %dma_start3A_178 : memref<1x!tpu.dma_semaphore, #tpu.memory_space<semaphore_mem>> -> memref<!tpu.dma_semaphore, #tpu.memory_space<semaphore_mem>>
        tpu.enqueue_indirect_dma source(%dma_start3A_177 : memref<100000x64xf32, #tpu.memory_space<hbm>>) target(%dma_start3A_171 : memref<100x64xf32, #tpu.memory_space<vmem>>) offsets(%dma_start3A_174 : memref<100xi32, #tpu.memory_space<vmem>>) semaphore(%dma_start3A_179 : memref<!tpu.dma_semaphore, #tpu.memory_space<semaphore_mem>>)
        %mul3A_180 = arith.constant 4 : i32
        %mul3A_181 = arith.muli %add3A_131, %mul3A_180 : i32
        %add3A_182 = arith.constant 3 : i32
        %add3A_183 = arith.addi %mul3A_181, %add3A_182 : i32
        %dma_start3A_184 = arith.constant 300 : i32
        %dma_start3A_185 = arith.constant 0 : i32
        %dma_start3A_186 = tpu.memref_slice %arg7[%sub3A_88, %dma_start3A_184, %dma_start3A_185] : memref<2x400x64xf32, #tpu.memory_space<vmem>> -> memref<1x100x64xf32, #tpu.memory_space<vmem>>
        %dma_start3A_187 = tpu.memref_squeeze %dma_start3A_186 : memref<1x100x64xf32, #tpu.memory_space<vmem>> -> memref<100x64xf32, #tpu.memory_space<vmem>>
        %dma_start3A_188 = arith.constant 0 : i32
        %dma_start3A_189 = tpu.memref_slice %arg6[%add3A_183, %dma_start3A_188] : memref<256x100xi32, #tpu.memory_space<vmem>> -> memref<1x100xi32, #tpu.memory_space<vmem>>
        %dma_start3A_190 = tpu.memref_squeeze %dma_start3A_189 : memref<1x100xi32, #tpu.memory_space<vmem>> -> memref<100xi32, #tpu.memory_space<vmem>>
        %dma_start3A_191 = arith.constant 0 : i32
        %dma_start3A_192 = arith.constant 0 : i32
        %dma_start3A_193 = tpu.memref_slice %arg3[%dma_start3A_191, %dma_start3A_192] : memref<100000x64xf32, #tpu.memory_space<hbm>> -> memref<100000x64xf32, #tpu.memory_space<hbm>>
        %dma_start3A_194 = tpu.memref_slice %arg9[%sub3A_88] : memref<2x!tpu.dma_semaphore, #tpu.memory_space<semaphore_mem>> -> memref<1x!tpu.dma_semaphore, #tpu.memory_space<semaphore_mem>>
        %dma_start3A_195 = tpu.memref_squeeze %dma_start3A_194 : memref<1x!tpu.dma_semaphore, #tpu.memory_space<semaphore_mem>> -> memref<!tpu.dma_semaphore, #tpu.memory_space<semaphore_mem>>
        tpu.enqueue_indirect_dma source(%dma_start3A_193 : memref<100000x64xf32, #tpu.memory_space<hbm>>) target(%dma_start3A_187 : memref<100x64xf32, #tpu.memory_space<vmem>>) offsets(%dma_start3A_190 : memref<100xi32, #tpu.memory_space<vmem>>) semaphore(%dma_start3A_195 : memref<!tpu.dma_semaphore, #tpu.memory_space<semaphore_mem>>)
      } else {
      }
      %dma_wait3A_95 = arith.constant 0 : i32
      %dma_wait3A_96 = arith.constant 0 : i32
      %dma_wait3A_97 = tpu.memref_slice %arg7[%rem3A_87, %dma_wait3A_95, %dma_wait3A_96] : memref<2x400x64xf32, #tpu.memory_space<vmem>> -> memref<1x400x64xf32, #tpu.memory_space<vmem>>
      %dma_wait3A_98 = tpu.memref_squeeze %dma_wait3A_97 : memref<1x400x64xf32, #tpu.memory_space<vmem>> -> memref<400x64xf32, #tpu.memory_space<vmem>>
      %dma_wait3A_99 = arith.constant 0 : i32
      %dma_wait3A_100 = arith.constant 0 : i32
      %dma_wait3A_101 = tpu.memref_slice %arg3[%dma_wait3A_99, %dma_wait3A_100] : memref<100000x64xf32, #tpu.memory_space<hbm>> -> memref<400x64xf32, #tpu.memory_space<hbm>>
      %dma_wait3A_102 = tpu.memref_slice %arg9[%rem3A_87] : memref<2x!tpu.dma_semaphore, #tpu.memory_space<semaphore_mem>> -> memref<1x!tpu.dma_semaphore, #tpu.memory_space<semaphore_mem>>
      %dma_wait3A_103 = tpu.memref_squeeze %dma_wait3A_102 : memref<1x!tpu.dma_semaphore, #tpu.memory_space<semaphore_mem>> -> memref<!tpu.dma_semaphore, #tpu.memory_space<semaphore_mem>>
      %dma_wait3A_104 = arith.constant 0 : i32
      %dma_wait3A_105 = arith.constant 0 : i32
      %dma_wait3A_106 = tpu.memref_slice %arg7[%rem3A_87, %dma_wait3A_104, %dma_wait3A_105] : memref<2x400x64xf32, #tpu.memory_space<vmem>> -> memref<1x400x64xf32, #tpu.memory_space<vmem>>
      %dma_wait3A_107 = tpu.memref_squeeze %dma_wait3A_106 : memref<1x400x64xf32, #tpu.memory_space<vmem>> -> memref<400x64xf32, #tpu.memory_space<vmem>>
      %dma_wait3A_108 = arith.constant 0 : i32
      %dma_wait3A_109 = arith.constant 0 : i32
      %dma_wait3A_110 = tpu.memref_slice %arg3[%dma_wait3A_108, %dma_wait3A_109] : memref<100000x64xf32, #tpu.memory_space<hbm>> -> memref<400x64xf32, #tpu.memory_space<hbm>>
      tpu.wait_dma2 semaphore(%dma_wait3A_103 : memref<!tpu.dma_semaphore, #tpu.memory_space<semaphore_mem>>) src(%dma_wait3A_110 : memref<400x64xf32, #tpu.memory_space<hbm>>) dst(%dma_wait3A_107 : memref<400x64xf32, #tpu.memory_space<vmem>>)
      %parallel_loop3A = arith.constant 0 : i32
      %parallel_loop3A_111 = arith.constant 200 : i32
      %parallel_loop3A_112 = arith.constant 1 : i32
      scf.for %parallel_loop3A_130 = %parallel_loop3A to %parallel_loop3A_111 step %parallel_loop3A_112  : i32 {
        %parallel_loop3A_131 = arith.index_cast %parallel_loop3A_130 : i32 to index
        %parallel_loop3A_132 = arith.constant 0 : index
        %parallel_loop3A_133 = tpu.vector_load %arg8[%parallel_loop3A_131, %parallel_loop3A_132] {strides = array<i32>} : memref<200x64xf32, #tpu.memory_space<vmem>>, vector<1x16xf32>,
        %parallel_loop3A_134 = vector.shape_cast %parallel_loop3A_133 : vector<1x16xf32> to vector<16xf32>
        %parallel_loop3A_135 = arith.constant 0 : i32
        %parallel_loop3A_136 = arith.addi %parallel_loop3A_135, %parallel_loop3A_130 : i32
        %parallel_loop3A_137 = arith.index_cast %rem3A_87 : i32 to index
        %parallel_loop3A_138 = arith.index_cast %parallel_loop3A_136 : i32 to index
        %parallel_loop3A_139 = arith.constant 0 : index
        %parallel_loop3A_140 = tpu.vector_load %arg7[%parallel_loop3A_137, %parallel_loop3A_138, %parallel_loop3A_139] {strides = array<i32>} : memref<2x400x64xf32, #tpu.memory_space<vmem>>, vector<1x1x16xf32>,
        %parallel_loop3A_141 = vector.shape_cast %parallel_loop3A_140 : vector<1x1x16xf32> to vector<16xf32>
        %parallel_loop3A_142 = vector.shape_cast %parallel_loop3A_134 : vector<16xf32> to vector<1x1x16xf32>
        tpu.vector_store %arg7[%parallel_loop3A_137, %parallel_loop3A_138, %parallel_loop3A_139], %parallel_loop3A_142 {add = true, strides = array<i32>} : memref<2x400x64xf32, #tpu.memory_space<vmem>>, vector<1x1x16xf32>,
        %parallel_loop3A_143 = arith.constant 200 : i32
        %parallel_loop3A_144 = arith.addi %parallel_loop3A_143, %parallel_loop3A_130 : i32
        %parallel_loop3A_145 = arith.index_cast %rem3A_87 : i32 to index
        %parallel_loop3A_146 = arith.index_cast %parallel_loop3A_144 : i32 to index
        %parallel_loop3A_147 = arith.constant 0 : index
        %parallel_loop3A_148 = tpu.vector_load %arg7[%parallel_loop3A_145, %parallel_loop3A_146, %parallel_loop3A_147] {strides = array<i32>} : memref<2x400x64xf32, #tpu.memory_space<vmem>>, vector<1x1x16xf32>,
        %parallel_loop3A_149 = vector.shape_cast %parallel_loop3A_148 : vector<1x1x16xf32> to vector<16xf32>
        %parallel_loop3A_150 = vector.shape_cast %parallel_loop3A_134 : vector<16xf32> to vector<1x1x16xf32>
        tpu.vector_store %arg7[%parallel_loop3A_145, %parallel_loop3A_146, %parallel_loop3A_147], %parallel_loop3A_150 {add = true, strides = array<i32>} : memref<2x400x64xf32, #tpu.memory_space<vmem>>, vector<1x1x16xf32>,
        %parallel_loop3A_151 = arith.index_cast %parallel_loop3A_130 : i32 to index
        %parallel_loop3A_152 = arith.constant 16 : index
        %parallel_loop3A_153 = tpu.vector_load %arg8[%parallel_loop3A_151, %parallel_loop3A_152] {strides = array<i32>} : memref<200x64xf32, #tpu.memory_space<vmem>>, vector<1x16xf32>,
        %parallel_loop3A_154 = vector.shape_cast %parallel_loop3A_153 : vector<1x16xf32> to vector<16xf32>
        %parallel_loop3A_155 = arith.constant 0 : i32
        %parallel_loop3A_156 = arith.addi %parallel_loop3A_155, %parallel_loop3A_130 : i32
        %parallel_loop3A_157 = arith.index_cast %rem3A_87 : i32 to index
        %parallel_loop3A_158 = arith.index_cast %parallel_loop3A_156 : i32 to index
        %parallel_loop3A_159 = arith.constant 16 : index
        %parallel_loop3A_160 = tpu.vector_load %arg7[%parallel_loop3A_157, %parallel_loop3A_158, %parallel_loop3A_159] {strides = array<i32>} : memref<2x400x64xf32, #tpu.memory_space<vmem>>, vector<1x1x16xf32>,
        %parallel_loop3A_161 = vector.shape_cast %parallel_loop3A_160 : vector<1x1x16xf32> to vector<16xf32>
        %parallel_loop3A_162 = vector.shape_cast %parallel_loop3A_154 : vector<16xf32> to vector<1x1x16xf32>
        tpu.vector_store %arg7[%parallel_loop3A_157, %parallel_loop3A_158, %parallel_loop3A_159], %parallel_loop3A_162 {add = true, strides = array<i32>} : memref<2x400x64xf32, #tpu.memory_space<vmem>>, vector<1x1x16xf32>,
        %parallel_loop3A_163 = arith.constant 200 : i32
        %parallel_loop3A_164 = arith.addi %parallel_loop3A_163, %parallel_loop3A_130 : i32
        %parallel_loop3A_165 = arith.index_cast %rem3A_87 : i32 to index
        %parallel_loop3A_166 = arith.index_cast %parallel_loop3A_164 : i32 to index
        %parallel_loop3A_167 = arith.constant 16 : index
        %parallel_loop3A_168 = tpu.vector_load %arg7[%parallel_loop3A_165, %parallel_loop3A_166, %parallel_loop3A_167] {strides = array<i32>} : memref<2x400x64xf32, #tpu.memory_space<vmem>>, vector<1x1x16xf32>,
        %parallel_loop3A_169 = vector.shape_cast %parallel_loop3A_168 : vector<1x1x16xf32> to vector<16xf32>
        %parallel_loop3A_170 = vector.shape_cast %parallel_loop3A_154 : vector<16xf32> to vector<1x1x16xf32>
        tpu.vector_store %arg7[%parallel_loop3A_165, %parallel_loop3A_166, %parallel_loop3A_167], %parallel_loop3A_170 {add = true, strides = array<i32>} : memref<2x400x64xf32, #tpu.memory_space<vmem>>, vector<1x1x16xf32>,
        %parallel_loop3A_171 = arith.index_cast %parallel_loop3A_130 : i32 to index
        %parallel_loop3A_172 = arith.constant 32 : index
        %parallel_loop3A_173 = tpu.vector_load %arg8[%parallel_loop3A_171, %parallel_loop3A_172] {strides = array<i32>} : memref<200x64xf32, #tpu.memory_space<vmem>>, vector<1x16xf32>,
        %parallel_loop3A_174 = vector.shape_cast %parallel_loop3A_173 : vector<1x16xf32> to vector<16xf32>
        %parallel_loop3A_175 = arith.constant 0 : i32
        %parallel_loop3A_176 = arith.addi %parallel_loop3A_175, %parallel_loop3A_130 : i32
        %parallel_loop3A_177 = arith.index_cast %rem3A_87 : i32 to index
        %parallel_loop3A_178 = arith.index_cast %parallel_loop3A_176 : i32 to index
        %parallel_loop3A_179 = arith.constant 32 : index
        %parallel_loop3A_180 = tpu.vector_load %arg7[%parallel_loop3A_177, %parallel_loop3A_178, %parallel_loop3A_179] {strides = array<i32>} : memref<2x400x64xf32, #tpu.memory_space<vmem>>, vector<1x1x16xf32>,
        %parallel_loop3A_181 = vector.shape_cast %parallel_loop3A_180 : vector<1x1x16xf32> to vector<16xf32>
        %parallel_loop3A_182 = vector.shape_cast %parallel_loop3A_174 : vector<16xf32> to vector<1x1x16xf32>
        tpu.vector_store %arg7[%parallel_loop3A_177, %parallel_loop3A_178, %parallel_loop3A_179], %parallel_loop3A_182 {add = true, strides = array<i32>} : memref<2x400x64xf32, #tpu.memory_space<vmem>>, vector<1x1x16xf32>,
        %parallel_loop3A_183 = arith.constant 200 : i32
        %parallel_loop3A_184 = arith.addi %parallel_loop3A_183, %parallel_loop3A_130 : i32
        %parallel_loop3A_185 = arith.index_cast %rem3A_87 : i32 to index
        %parallel_loop3A_186 = arith.index_cast %parallel_loop3A_184 : i32 to index
        %parallel_loop3A_187 = arith.constant 32 : index
        %parallel_loop3A_188 = tpu.vector_load %arg7[%parallel_loop3A_185, %parallel_loop3A_186, %parallel_loop3A_187] {strides = array<i32>} : memref<2x400x64xf32, #tpu.memory_space<vmem>>, vector<1x1x16xf32>,
        %parallel_loop3A_189 = vector.shape_cast %parallel_loop3A_188 : vector<1x1x16xf32> to vector<16xf32>
        %parallel_loop3A_190 = vector.shape_cast %parallel_loop3A_174 : vector<16xf32> to vector<1x1x16xf32>
        tpu.vector_store %arg7[%parallel_loop3A_185, %parallel_loop3A_186, %parallel_loop3A_187], %parallel_loop3A_190 {add = true, strides = array<i32>} : memref<2x400x64xf32, #tpu.memory_space<vmem>>, vector<1x1x16xf32>,
        %parallel_loop3A_191 = arith.index_cast %parallel_loop3A_130 : i32 to index
        %parallel_loop3A_192 = arith.constant 48 : index
        %parallel_loop3A_193 = tpu.vector_load %arg8[%parallel_loop3A_191, %parallel_loop3A_192] {strides = array<i32>} : memref<200x64xf32, #tpu.memory_space<vmem>>, vector<1x16xf32>,
        %parallel_loop3A_194 = vector.shape_cast %parallel_loop3A_193 : vector<1x16xf32> to vector<16xf32>
        %parallel_loop3A_195 = arith.constant 0 : i32
        %parallel_loop3A_196 = arith.addi %parallel_loop3A_195, %parallel_loop3A_130 : i32
        %parallel_loop3A_197 = arith.index_cast %rem3A_87 : i32 to index
        %parallel_loop3A_198 = arith.index_cast %parallel_loop3A_196 : i32 to index
        %parallel_loop3A_199 = arith.constant 48 : index
        %parallel_loop3A_200 = tpu.vector_load %arg7[%parallel_loop3A_197, %parallel_loop3A_198, %parallel_loop3A_199] {strides = array<i32>} : memref<2x400x64xf32, #tpu.memory_space<vmem>>, vector<1x1x16xf32>,
        %parallel_loop3A_201 = vector.shape_cast %parallel_loop3A_200 : vector<1x1x16xf32> to vector<16xf32>
        %parallel_loop3A_202 = vector.shape_cast %parallel_loop3A_194 : vector<16xf32> to vector<1x1x16xf32>
        tpu.vector_store %arg7[%parallel_loop3A_197, %parallel_loop3A_198, %parallel_loop3A_199], %parallel_loop3A_202 {add = true, strides = array<i32>} : memref<2x400x64xf32, #tpu.memory_space<vmem>>, vector<1x1x16xf32>,
        %parallel_loop3A_203 = arith.constant 200 : i32
        %parallel_loop3A_204 = arith.addi %parallel_loop3A_203, %parallel_loop3A_130 : i32
        %parallel_loop3A_205 = arith.index_cast %rem3A_87 : i32 to index
        %parallel_loop3A_206 = arith.index_cast %parallel_loop3A_204 : i32 to index
        %parallel_loop3A_207 = arith.constant 48 : index
        %parallel_loop3A_208 = tpu.vector_load %arg7[%parallel_loop3A_205, %parallel_loop3A_206, %parallel_loop3A_207] {strides = array<i32>} : memref<2x400x64xf32, #tpu.memory_space<vmem>>, vector<1x1x16xf32>,
        %parallel_loop3A_209 = vector.shape_cast %parallel_loop3A_208 : vector<1x1x16xf32> to vector<16xf32>
        %parallel_loop3A_210 = vector.shape_cast %parallel_loop3A_194 : vector<16xf32> to vector<1x1x16xf32>
        tpu.vector_store %arg7[%parallel_loop3A_205, %parallel_loop3A_206, %parallel_loop3A_207], %parallel_loop3A_210 {add = true, strides = array<i32>} : memref<2x400x64xf32, #tpu.memory_space<vmem>>, vector<1x1x16xf32>,
      } {sc.loop_unroll_factor = 8 : i64, sc.parallel_access}
      %mul3A_113 = arith.constant 400 : i32
      %mul3A_114 = arith.muli %scan3A_86, %mul3A_113 : i32
      %add3A_115 = arith.addi %mul3A_2, %mul3A_114 : i32
      %dma_start3A_116 = arith.constant 0 : i32
      %dma_start3A_117 = arith.constant 0 : i32
      %dma_start3A_118 = tpu.memref_slice %arg7[%rem3A_87, %dma_start3A_116, %dma_start3A_117] : memref<2x400x64xf32, #tpu.memory_space<vmem>> -> memref<1x400x64xf32, #tpu.memory_space<vmem>>
      %dma_start3A_119 = tpu.memref_squeeze %dma_start3A_118 : memref<1x400x64xf32, #tpu.memory_space<vmem>> -> memref<400x64xf32, #tpu.memory_space<vmem>>
      %dma_start3A_120 = arith.constant 0 : i32
      %dma_start3A_121 = tpu.memref_slice %arg5[%add3A_115, %dma_start3A_120] : memref<819200x128xf32, #tpu.memory_space<hbm>> -> memref<400x64xf32, #tpu.memory_space<hbm>>
      %dma_start3A_122 = tpu.memref_slice %arg10[%rem3A_87] : memref<2x!tpu.dma_semaphore, #tpu.memory_space<semaphore_mem>> -> memref<1x!tpu.dma_semaphore, #tpu.memory_space<semaphore_mem>>
      %dma_start3A_123 = tpu.memref_squeeze %dma_start3A_122 : memref<1x!tpu.dma_semaphore, #tpu.memory_space<semaphore_mem>> -> memref<!tpu.dma_semaphore, #tpu.memory_space<semaphore_mem>>
      %dma_start3A_124 = arith.constant 0 : i32
      %dma_start3A_125 = tpu.memref_slice %arg5[%add3A_115, %dma_start3A_124] : memref<819200x128xf32, #tpu.memory_space<hbm>> -> memref<400x64xf32, #tpu.memory_space<hbm>>
      %dma_start3A_126 = arith.constant 0 : i32
      %dma_start3A_127 = arith.constant 0 : i32
      %dma_start3A_128 = tpu.memref_slice %arg7[%rem3A_87, %dma_start3A_126, %dma_start3A_127] : memref<2x400x64xf32, #tpu.memory_space<vmem>> -> memref<1x400x64xf32, #tpu.memory_space<vmem>>
      %dma_start3A_129 = tpu.memref_squeeze %dma_start3A_128 : memref<1x400x64xf32, #tpu.memory_space<vmem>> -> memref<400x64xf32, #tpu.memory_space<vmem>>
      tpu.enqueue_dma source(%dma_start3A_129 : memref<400x64xf32, #tpu.memory_space<vmem>>) target(%dma_start3A_125 : memref<400x64xf32, #tpu.memory_space<hbm>>) target_semaphore(%dma_start3A_123 : memref<!tpu.dma_semaphore, #tpu.memory_space<semaphore_mem>>)
    }
    %scan3A_68 = arith.constant 64 : i32
    %dma_wait3A = arith.constant 1 : i32
    %dma_wait3A_69 = arith.constant 1 : i32
    %dma_wait3A_70 = arith.constant 0 : i32
    %dma_wait3A_71 = arith.constant 0 : i32
    %dma_wait3A_72 = tpu.memref_slice %arg7[%dma_wait3A, %dma_wait3A_70, %dma_wait3A_71] : memref<2x400x64xf32, #tpu.memory_space<vmem>> -> memref<1x400x64xf32, #tpu.memory_space<vmem>>
    %dma_wait3A_73 = tpu.memref_squeeze %dma_wait3A_72 : memref<1x400x64xf32, #tpu.memory_space<vmem>> -> memref<400x64xf32, #tpu.memory_space<vmem>>
    %dma_wait3A_74 = arith.constant 0 : i32
    %dma_wait3A_75 = arith.constant 0 : i32
    %dma_wait3A_76 = tpu.memref_slice %arg5[%dma_wait3A_74, %dma_wait3A_75] : memref<819200x128xf32, #tpu.memory_space<hbm>> -> memref<400x64xf32, #tpu.memory_space<hbm>>
    %dma_wait3A_77 = tpu.memref_slice %arg10[%dma_wait3A_69] : memref<2x!tpu.dma_semaphore, #tpu.memory_space<semaphore_mem>> -> memref<1x!tpu.dma_semaphore, #tpu.memory_space<semaphore_mem>>
    %dma_wait3A_78 = tpu.memref_squeeze %dma_wait3A_77 : memref<1x!tpu.dma_semaphore, #tpu.memory_space<semaphore_mem>> -> memref<!tpu.dma_semaphore, #tpu.memory_space<semaphore_mem>>
    %dma_wait3A_79 = arith.constant 0 : i32
    %dma_wait3A_80 = arith.constant 0 : i32
    %dma_wait3A_81 = tpu.memref_slice %arg5[%dma_wait3A_79, %dma_wait3A_80] : memref<819200x128xf32, #tpu.memory_space<hbm>> -> memref<400x64xf32, #tpu.memory_space<hbm>>
    %dma_wait3A_82 = arith.constant 0 : i32
    %dma_wait3A_83 = arith.constant 0 : i32
    %dma_wait3A_84 = tpu.memref_slice %arg7[%dma_wait3A, %dma_wait3A_82, %dma_wait3A_83] : memref<2x400x64xf32, #tpu.memory_space<vmem>> -> memref<1x400x64xf32, #tpu.memory_space<vmem>>
    %dma_wait3A_85 = tpu.memref_squeeze %dma_wait3A_84 : memref<1x400x64xf32, #tpu.memory_space<vmem>> -> memref<400x64xf32, #tpu.memory_space<vmem>>
    tpu.wait_dma2 semaphore(%dma_wait3A_78 : memref<!tpu.dma_semaphore, #tpu.memory_space<semaphore_mem>>) src(%dma_wait3A_85 : memref<400x64xf32, #tpu.memory_space<vmem>>) dst(%dma_wait3A_81 : memref<400x64xf32, #tpu.memory_space<hbm>>)
    return
  }
}

</mosaic_0001>

<sc_bundles>
// kernel: kernel.3.cloned.1.call-start
scs
__scs_entry_jumppad:
0x0: {  	(pc) =	sbr.rel $0x88, $3  }
0x1: {  	(tag) =	ssettag $0x0;
	lr =	simm.s32 $0x1  }
0x2: {  	[smem:$0x3F9E] =	sst lr;
	_ =	strace $0xD0000000  }
0x3: {  	_ = 	snop  }
0x4: {  	_ = 	snop  }
0x5: {  	_ = 	snop  }
0x6: {  	_ = 	snop  }
0x7: {  	_ = 	snop  }
__scs_overlays_trampoline_lowered:
0x8: {  	[smem:$0x3FAD] =	sst s0  }
0x9: {  	[smem:$0x3FAE] =	sst s1  }
0xa: {  	[smem:$0x3FAF] =	sst s2  }
0xb: {  	[smem:$0x3FB0] =	sst s3  }
0xc: {  	[smem:$0x3FB1] =	sst s4  }
0xd: {  	[smem:$0x3FB2] =	sst s5  }
0xe: {  	[smem:$0x3FB3] =	sst s6  }
0xf: {  	[smem:$0x3FB4] =	sst s7  }
0x10: {  	[smem:$0x3FB5] =	sst s8  }
0x11: {  	[smem:$0x3FB6] =	sst s9;
	s0 =	simm.s32 @!p0 $0x0  }
0x12: {  	s1 =	sld [smem:$0x3F9C];
	s0 =	simm.s32 @p0 $0x1  }
0x13: {  	[smem:$0x3FB7] =	sst s0;
	s0 =	simm.s32 @!p1 $0x0  }
0x14: {  	s2 =	sld [smem:$0x3F9B];
	s0 =	simm.s32 @p1 $0x1  }
0x15: {  	[smem:$0x3FB8] =	sst s0;
	s0 =	simm.s32 @!p2 $0x0  }
0x16: {  	s3 =	sld [smem:$0x3FDB];
	s0 =	simm.s32 @p2 $0x1  }
0x17: {  	s4 =	simm.s32 $0x1BF5;
	[smem:$0x3FBA] =	sst s0  }
0x18: {  	s0 =	sld [smem:$0x3F9D];
	_ =	swait.ge [sflag:s4], $0x0  }
0x19: {  	s7 =	sld [smem:$0x3F9E]  }
0x1a: {  	s8 =	sadd.s32 $0xFFFFE003, lr  }
0x1b: {  	s9 =	sadd.s32 $0xFFFFFEF7, lr;
	s5 =	simm.s32 $0xFFFFFFFF;
	p2 =	slt.u32 s8, $0xFFFFF086  }
0x1c: {  	p1 =	slt.u32 s9, $0xF7A;
	s5 =	simm.s32 @!p2 $0x0  }
0x1d: {  	s5 =	simm.s32 @p1 $0x1;
	p0 =	seq.s32 s7, s2  }
0x1e: {  	s7 =	smul.u32 @!p0 $0xF7A, s2;
	p2 =	seq.s32 @!p0 s5, $0x0  }
0x1f: {  	s9 =	smul.u32 $0xF7A, s1;
	s8 =	simm.s32 @!p0 $0x1BF5;
	p2 =	por !p2, p0  }
0x20: {  	[sflag:s8] =	ssyncset.s32 @!p0 $0xFFFFF086;
	s6 =	sadd.s32 @!p0 s3, s7;
	s7 =	simm.s32 @!p0 $0x108  }
0x21: {  	s3 =	sadd.s32 s3, s9;
	s6 =	sadd.s32 @!p0 $0x88, s6;
	s7 =	simm.s32 @p2 $0x1082  }
0x22: {  	[simem:s7], [sflag:s8] =	dma.local @!p0 [hbm:s6], $0xF7A  }
0x23: {  	s9 =	sor.u32 $0xD0000000, s2;
	s6 =	simm.s32 $0x108;
	_ =	swait.ge @!p0 [sflag:s8], $0x0  }
0x24: {  	s3 =	sadd.s32 $0x88, s3;
	s6 =	simm.s32 @!p1 $0x1082;
	[sflag:s4] =	ssyncset.s32 $0xFFFFF086  }
0x25: {  	[simem:s6], [sflag:s4] =	dma.local [hbm:s3], $0xF7A  }
0x26: {  	[smem:$0x3F9E] =	sst s1;
	(tag) =	ssettag s2;
	_ =	strace s9  }
0x27: {  	s1 =	sld [smem:$0x3FAE]  }
0x28: {  	s2 =	sld [smem:$0x3FAF]  }
0x29: {  	s4 =	sld [smem:$0x3FB1]  }
0x2a: {  	p0 =	seq.s32 s5, $0x0;
	s5 =	sld [smem:$0x3FB2]  }
0x2b: {  	s6 =	sld [smem:$0x3FB3]  }
0x2c: {  	s7 =	sld [smem:$0x3FB4]  }
0x2d: {  	s3 =	simm.s32 $0x108;
	s8 =	sld [smem:$0x3FB5]  }
0x2e: {  	s3 =	simm.s32 @!p0 $0x1082;
	s9 =	sld [smem:$0x3FB6]  }
0x2f: {  	lr =	sadd.s32 s0, s3;
	s0 =	sld [smem:$0x3FAD]  }
0x30: {  	s3 =	sld [smem:$0x3FB0]  }
0x31: {  	[smem:$0x3FB9] =	sst s10  }
0x32: {  	s10 =	sld [smem:$0x3FB7];
	_ =	sdelay $0x3  }
0x33: {  	p0 =	seq.s32 s10, $0x1;
	s10 =	sld [smem:$0x3FB9];
	_ =	sdelay $0x3  }
0x34: {  	[smem:$0x3FB9] =	sst s10  }
0x35: {  	s10 =	sld [smem:$0x3FB8];
	_ =	sdelay $0x3  }
0x36: {  	p1 =	seq.s32 s10, $0x1;
	s10 =	sld [smem:$0x3FB9];
	_ =	sdelay $0x3  }
0x37: {  	[smem:$0x3FB9] =	sst s10  }
0x38: {  	s10 =	sld [smem:$0x3FBA]  }
0x39: {  	_ = 	snop;
	(pc) =	sbr.ind lr, $3  }
0x3a: {  	_ = 	snop  }
0x3b: {  	_ = 	snop  }
0x3c: {  	p2 =	seq.s32 s10, $0x1;
	s10 =	sld [smem:$0x3FB9]  }
0x3d: {  	_ =	shalt  }
0x3e: {  	_ =	shalt  }
0x3f: {  	_ =	shalt  }
0x40: {  	_ =	shalt  }
0x41: {  	_ =	shalt  }
0x42: {  	_ =	shalt  }
0x43: {  	_ =	shalt  }
0x44: {  	_ =	shalt  }
0x45: {  	_ =	shalt  }
0x46: {  	_ =	shalt  }
0x47: {  	_ =	shalt  }
0x48: {  	_ =	shalt  }
0x49: {  	_ =	shalt  }
0x4a: {  	_ =	shalt  }
0x4b: {  	_ =	shalt  }
0x4c: {  	_ =	shalt  }
0x4d: {  	_ =	shalt  }
0x4e: {  	_ =	shalt  }
0x4f: {  	_ =	shalt  }
0x50: {  	_ =	shalt  }
0x51: {  	_ =	shalt  }
0x52: {  	_ =	shalt  }
0x53: {  	_ =	shalt  }
0x54: {  	_ =	shalt  }
0x55: {  	_ =	shalt  }
0x56: {  	_ =	shalt  }
0x57: {  	_ =	shalt  }
0x58: {  	_ =	shalt  }
0x59: {  	_ =	shalt  }
0x5a: {  	_ =	shalt  }
0x5b: {  	_ =	shalt  }
0x5c: {  	_ =	shalt  }
0x5d: {  	_ =	shalt  }
0x5e: {  	_ =	shalt  }
0x5f: {  	_ =	shalt  }
0x60: {  	_ =	shalt  }
0x61: {  	_ =	shalt  }
0x62: {  	_ =	shalt  }
0x63: {  	_ =	shalt  }
0x64: {  	_ =	shalt  }
0x65: {  	_ =	shalt  }
0x66: {  	_ =	shalt  }
0x67: {  	_ =	shalt  }
0x68: {  	_ =	shalt  }
0x69: {  	_ =	shalt  }
0x6a: {  	_ =	shalt  }
0x6b: {  	_ =	shalt  }
0x6c: {  	_ =	shalt  }
0x6d: {  	_ =	shalt  }
0x6e: {  	_ =	shalt  }
0x6f: {  	_ =	shalt  }
0x70: {  	_ =	shalt  }
0x71: {  	_ =	shalt  }
0x72: {  	_ =	shalt  }
0x73: {  	_ =	shalt  }
0x74: {  	_ =	shalt  }
0x75: {  	_ =	shalt  }
0x76: {  	_ =	shalt  }
0x77: {  	_ =	shalt  }
0x78: {  	_ =	shalt  }
0x79: {  	_ =	shalt  }
0x7a: {  	_ =	shalt  }
0x7b: {  	_ =	shalt  }
0x7c: {  	_ =	shalt  }
0x7d: {  	_ =	shalt  }
0x7e: {  	_ =	shalt  }
0x7f: {  	_ =	shalt  }
0x80: {  	_ =	shalt  }
0x81: {  	_ =	shalt  }
0x82: {  	_ =	shalt  }
0x83: {  	_ =	shalt  }
0x84: {  	_ =	shalt  }
0x85: {  	_ =	shalt  }
0x86: {  	_ =	shalt  }
0x87: {  	_ =	shalt  }
.Lfunc_end0:
.L_simem_size_0:
called_computation.1_lowered:
.L_overlay_start_0:
0x88: {  	s2 =	sld [smem:$0x3FD9]  }
0x89: {  	s3 =	sld [smem:$0x3FFE];
	_ =	sdelay $0x1  }
0x8a: {  	s1 =	srdreg.scid  }
0x8b: {  	s0 =	sand.u32 $0x1, s1  }
0x8c: {  	s16 =	sshll.u32 s0, $0xA;
	s2 =	sadd.s32 s3, s2  }
0x8d: {  	s2 =	sadd.s32 s2, s16  }
0x8e: {  	[smem:$0x3FC5] =	sst s2  }
0x8f: {  	_ = 	snop  }
0x90: {  	(tm) =	ssettm $0x1  }
0x91: {  	s17 =	sld [smem:$0x3FFB];
	_ =	sdelay $0x3  }
0x92: {  	_ =	strace s17  }
0x93: {  	s2 =	sld [smem:$0x3FFC];
	_ =	sdelay $0x3  }
0x94: {  	_ =	strace s2  }
0x95: {  	s2 =	sld [smem:$0x3FFD];
	_ =	sdelay $0x3  }
0x96: {  	_ =	strace s2  }
0x97: {  	_ =	strace $0x8FFFFFFF  }
0x98: {  	s18 =	sld [smem:$0x3FDB];
	_ =	sdelay $0x1  }
0x99: {  	s19 =	simm.s32 $_scs_section_size  }
0x9a: {  	s4 =	simm.s32 $_size__tile_overlayer_lowered;
	s5 =	simm.s32 $_tile_overlayer_lowered  }
0x9b: {  	s22 =	simm.s32 $0x1BFF;
	s21 =	sshll.u32 s5, $0x1;
	s2 =	sadd.s32 s19, s18  }
0x9c: {  	s6 =	simm.s32 $0x0;
	s20 =	sshll.u32 s4, $0x1;
	s4 =	sadd.s32 s21, s2  }
0x9d: {  	[timem:s6], [sflag:s22] =	dma.local [hbm:s4], s20  }
0x9e: {  	_ =	swait.ge [sflag:s22], s20  }
0x9f: {  	s3 =	ssub.s32 $0x0, s20;
	[sflag:s22] =	ssyncset.done $0x0  }
0xa0: {  	[sflag:s22] =	ssyncadd.s32 s3;
	_ =	sdelay $0x1  }
0xa1: {  	s23 =	simm.s32 $0x1B8B  }
0xa2: {  	_ =	swait.ge [sflag:s23], $0x1  }
0xa3: {  	[sflag:s23] =	ssyncset.done $0x0  }
0xa4: {  	s25 =	simm.s32 $0x1B8E;
	s24 =	sld [smem:$0x3FFE];
	[sflag:s23] =	ssyncadd.s32 $0xFFFFFFFF  }
0xa5: {  	s26 =	simm.s32 $execute0_lowered;
	[smem:$0x3FD2] =	sst s25  }
0xa6: {  	s4 =	sshll.u32 s26, $0x1;
	_ =	strace $0x80000046;
	[dreg:$0x1] =	wrdreg $0xFFFFFFFF  }
0xa7: {  	s28 =	simm.s32 $_size_execute0_lowered;
	s2 =	sadd.s32 s2, s4;
	[dreg:$0x0] =	wrdreg $0x0  }
0xa8: {  	s4 =	sshll.u32 s28, $0x1;
	[dreg:$0x2] =	wrdreg s2  }
0xa9: {  	[dreg:$0x3] =	wrdreg s4  }
0xaa: {  	[dreg:$0x4] =	wrdreg $0xC0  }
0xab: {  	_ =	task [dreg:s6], $0x5FFFF  }
0xac: {  	[dreg:$0x1] =	wrdreg $0xFFFFFFFF  }
0xad: {  	[dreg:$0x0] =	wrdreg $0x60  }
0xae: {  	[dreg:$0x2] =	wrdreg s24  }
0xaf: {  	[dreg:$0x3] =	wrdreg $0x9  }
0xb0: {  	_ =	task.clear_ibuf [dreg:s6], $0x4FFFF;
	_ =	strace $0x90000046  }
0xb1: {  	s29 =	simm.s32 $0x9;
	_ =	strace $0x80000048  }
0xb2: {  	_ =	swait.ge [sflag:s29], $0x1  }
0xb3: {  	[sflag:s29] =	ssyncadd.s32 $0xFFFFFFFF  }
0xb4: {  	_ =	strace $0x90000048  }
0xb5: {  	_ =	sfence  }
0xb6: {  	s30 =	sld [smem:$0x0];
	_ =	sdelay $0x2  }
0xb7: {  	s31 =	sshll.u32 s1, $0xD;
	s1 =	sshrl.u32 s1, $0x2  }
0xb8: {  	s3 =	sand.u32 $0x4000, s31;
	s1 =	sadd.s32 s1, s30  }
0xb9: {  	s0 =	sor.u32 s3, s0;
	s1 =	sshll.u32 s1, $0x11  }
0xba: {  	s0 =	sor.u32 s1, s0  }
0xbb: {  	s0 =	sadd.s32 $0x8F2B, s0  }
0xbc: {  	[sflag:s0] =	ssyncadd.remote.s32 $0x1  }
0xbd: {  	_ =	sfence.sel $0xFFFF  }
0xbe: {  	[dreg:$0x0] =	wrdreg $0xFFFFFFFF;
	(pc) =	sbr.abs _section_cstart, $3  }
0xbf: {  	[dreg:$0x1] =	wrdreg $0xFFFFFFFF  }
0xc0: {  	_ =	task.clear_ibuf [dreg:s6], $0x2FFFF;
	_ =	strace $0x9FFFFFFF  }
0xc1: {  	(tm) =	ssettm $0x7FFFFFFF  }
tec
execute0_lowered:
.L_overlay_start_1:
0x0: {  	(tag) =	ssettag $0x1  }
0x1: {  	s1 =	srdreg.scid;
	s0 =	stileid.u32  }
0x2: {  	s5 =	rddreg [dreg:$0x0];
	s2 =	simm.s32 $0x0;
	s10 =	simm.s32 $0x5  }
0x3: {  	s11 =	simm.s32 $0x64;
	s12 =	simm.s32 $0x6800;
	s13 =	simm.s32 $0x68  }
0x4: {  	s14 =	simm.s32 $0x8100;
	s15 =	simm.s32 $0xD0;
	s16 =	simm.s32 $0x9A00  }
0x5: {  	s17 =	simm.s32 $0x138;
	s18 =	simm.s32 $0xB300;
	s19 =	simm.s32 $0x40  }
0x6: {  	s20 =	simm.s32 $0x80;
	s21 =	simm.s32 $0x4;
	s22 =	simm.s32 $0x0  }
0x7: {  	s4 =	sand.u32 $0x1, s1;
	s3 =	sshll.u32 s0, $0x1;
	s1 =	rddreg [dreg:$0x1]  }
0x8: {  	[smem:$0x7FF] =	sst s2;
	s6 =	sor.u32 s4, s3;
	s8 =	ssub.s32 $0x2, s4  }
0x9: {  	_ =	strace $0x80000047;
	s3 =	smul.u32 $0xD00, s6;
	s9 =	sshrl.u32 s8, $0x1  }
0xa: {  	s4 =	sadd.s32 $0xA00, s5;
	s6 =	smul.u32 $0x6400, s6;
	s8 =	ssub.s32 s8, s9  }
0xb: {  	s9 =	simm.s32 $0x13000;
	s7 =	sadd.s32 s3, s5;
	s3 =	sadd.s32 $0x1B200, s5  }
0xc: {  	s5 =	sadd.s32 $0xDE800, s5;
	s8 =	smax.u32 s8, $0x1;
	s7 =	sadd.s32 $0x1200, s7  }
.LBB2_1:
0xd: {  	[tilespmem:s9], [sflag:$0x5] =	stream.linear.gather [hbm4b:s4+s2], $0x3200, $0x38;
	[tilespmem:$0x16200] =	vst v63  }
0xe: {  	_ =	swait.ge [sflag:s10], $0x3200  }
0xf: {  	[sflag:s10] =	ssyncset.done $0x0  }
0x10: {  	[sflag:s10] =	ssyncadd.s32 $0xFFFFCE00  }
0x11: {  	[tilespmem:s2], [sflag:$0x5] =	stream.linear.gather [hbm4b:s7+s2], $0x6800, $0x38;
	[tilespmem:$0x16200] =	vst v63  }
0x12: {  	_ =	swait.ge [sflag:s10], $0x6800  }
0x13: {  	[sflag:s10] =	ssyncset.done $0x0  }
0x14: {  	[sflag:s10] =	ssyncadd.s32 $0xFFFF9800  }
0x15: {  	[tilespmem:s12], [sflag:$0x1] =	stream.indirect.gather [hbm4b:s3+s11], $0x40, s2, s11, $0xb8;
	[tilespmem:$0x16200] =	vst v63  }
0x16: {  	_ = 	snop  }
0x17: {  	[tilespmem:s14], [sflag:$0x1] =	stream.indirect.gather [hbm4b:s3+s11], $0x40, s13, s11, $0xb8;
	[tilespmem:$0x16200] =	vst v63  }
0x18: {  	_ = 	snop  }
0x19: {  	[tilespmem:s16], [sflag:$0x1] =	stream.indirect.gather [hbm4b:s3+s11], $0x40, s15, s11, $0xb8;
	[tilespmem:$0x16200] =	vst v63  }
0x1a: {  	p0 =	por $0x0, $0x0;
	s23 =	simm.s32 $0x0  }
0x1b: {  	[tilespmem:s18], [sflag:$0x1] =	stream.indirect.gather [hbm4b:s3+s11], $0x40, s17, s11, $0xb8;
	[tilespmem:$0x16200] =	vst v63  }
.LBB2_2:
0x1c: {  	s24 =	sand.u32 $0x1, s23  }
0x1d: {  	p1 =	seq.s32 s23, $0x0;
	s25 =	sxor.u32 $0x1, s24  }
0x1e: {  	p2 =	seq.s32 @!p1 s23, $0x3F;
	s26 =	sadd.s32 @!p1 $0x3, s25  }
0x1f: {  	p2 =	por p1, !p2;
	_ =	swait.ge @!p1 [sflag:s26], $0x6400  }
0x20: {  	s28 =	smul.u32 @p2 $0x680, s23;
	[sflag:s26] =	ssyncset.done @!p1 $0x0  }
0x21: {  	[sflag:s26] =	ssyncadd.s32 @!p1 $0xFFFF9C00;
	s26 =	smul.u32 @p2 $0x19000, s25;
	_ =	sdelay $0x1  }
0x22: {  	s28 =	sshra.s32 @p2 s28, $0x2;
	s26 =	sshrl.u32 @p2 s26, $0x2  }
0x23: {  	s25 =	sadd.s32 @p2 $0x1, s25;
	s30 =	sadd.s32 @p2 $0x1A0, s28;
	s29 =	sadd.s32 @p2 $0x6800, s26  }
0x24: {  	[tilespmem:s29], [sflag:s25] =	stream.indirect.gather @p2 [hbm4b:s3+s11], $0x40, s30, s11, $0xb8;
	[tilespmem:$0x16200] =	vst v63  }
0x25: {  	s29 =	sor.u32 @p2 $0x8100, s26;
	s30 =	sadd.s32 @p2 $0x208, s28  }
0x26: {  	[tilespmem:s29], [sflag:s25] =	stream.indirect.gather @p2 [hbm4b:s3+s11], $0x40, s30, s11, $0xb8;
	[tilespmem:$0x16200] =	vst v63  }
0x27: {  	s29 =	sadd.s32 @p2 $0x9A00, s26;
	s30 =	sadd.s32 @p2 $0x270, s28  }
0x28: {  	[tilespmem:s29], [sflag:s25] =	stream.indirect.gather @p2 [hbm4b:s3+s11], $0x40, s30, s11, $0xb8;
	[tilespmem:$0x16200] =	vst v63  }
0x29: {  	s31 =	sadd.s32 $0x1, s24;
	s26 =	sadd.s32 @p2 $0xB300, s26;
	s28 =	sadd.s32 @p2 $0x2D8, s28  }
0x2a: {  	[tilespmem:s26], [sflag:s25] =	stream.indirect.gather @p2 [hbm4b:s3+s11], $0x40, s28, s11, $0xb8;
	[tilespmem:$0x16200] =	vst v63  }
0x2b: {  	_ =	swait.ge [sflag:s31], $0x6400  }
0x2c: {  	[sflag:s31] =	ssyncset.done $0x0  }
0x2d: {  	s28 =	simm.s32 $0x0;
	[sflag:s31] =	ssyncadd.s32 $0xFFFF9C00  }
0x2e: {  	v0 =	vld [tilespmem:s28+$0x131C0]  }
0x2f: {  	s26 =	simm.s32 $0x1;
	v1 =	vld [tilespmem:s28+$0x13000]  }
0x30: {  	s26 =	simm.s32 @!p0 $0x0;
	v2 =	vld [tilespmem:s28+$0x13040]  }
0x31: {  	s31 =	smul.u32 $0x19000, s26;
	v3 =	vld [tilespmem:s28+$0x13080]  }
0x32: {  	v4 =	vld [tilespmem:s28+$0x130C0]  }
0x33: {  	v5 =	vld [tilespmem:s28+$0x13100];
	s25 =	sshrl.u32 s31, $0x2  }
0x34: {  	v6 =	vld [tilespmem:s28+$0x13140];
	s25 =	sadd.s32 $0x6800, s25  }
0x35: {  	v7 =	vld [tilespmem:s28+$0x13180];
	s26 =	sadd.s32 $0x0, s25  }
0x36: {  	[tilespmem:s26+$0x1C0] =	vst.add.f32.msk $0xffff, v0  }
0x37: {  	[tilespmem:s26+$0x33C0] =	vst.add.f32.msk $0xffff, v0  }
0x38: {  	[tilespmem:s26+$0x0] =	vst.add.f32.msk $0xffff, v1  }
0x39: {  	[tilespmem:s26+$0x3200] =	vst.add.f32.msk $0xffff, v1  }
0x3a: {  	[tilespmem:s26+$0x40] =	vst.add.f32.msk $0xffff, v2  }
0x3b: {  	[tilespmem:s26+$0x3240] =	vst.add.f32.msk $0xffff, v2  }
0x3c: {  	[tilespmem:s26+$0x80] =	vst.add.f32.msk $0xffff, v3  }
0x3d: {  	[tilespmem:s26+$0x3280] =	vst.add.f32.msk $0xffff, v3  }
0x3e: {  	[tilespmem:s26+$0xC0] =	vst.add.f32.msk $0xffff, v4  }
0x3f: {  	[tilespmem:s26+$0x32C0] =	vst.add.f32.msk $0xffff, v4  }
0x40: {  	[tilespmem:s26+$0x100] =	vst.add.f32.msk $0xffff, v5  }
0x41: {  	[tilespmem:s26+$0x3300] =	vst.add.f32.msk $0xffff, v5  }
0x42: {  	[tilespmem:s26+$0x140] =	vst.add.f32.msk $0xffff, v6  }
0x43: {  	[tilespmem:s26+$0x3340] =	vst.add.f32.msk $0xffff, v6  }
0x44: {  	[tilespmem:s26+$0x180] =	vst.add.f32.msk $0xffff, v7  }
0x45: {  	[tilespmem:s26+$0x3380] =	vst.add.f32.msk $0xffff, v7  }
0x46: {  	v0 =	vld [tilespmem:s28+$0x131D0]  }
0x47: {  	v1 =	vld [tilespmem:s28+$0x13010]  }
0x48: {  	v2 =	vld [tilespmem:s28+$0x13050]  }
0x49: {  	v3 =	vld [tilespmem:s28+$0x13090]  }
0x4a: {  	v4 =	vld [tilespmem:s28+$0x130D0]  }
0x4b: {  	v5 =	vld [tilespmem:s28+$0x13110]  }
0x4c: {  	v6 =	vld [tilespmem:s28+$0x13150]  }
0x4d: {  	v7 =	vld [tilespmem:s28+$0x13190]  }
0x4e: {  	[tilespmem:s26+$0x1D0] =	vst.add.f32.msk $0xffff, v0  }
0x4f: {  	[tilespmem:s26+$0x33D0] =	vst.add.f32.msk $0xffff, v0  }
0x50: {  	[tilespmem:s26+$0x10] =	vst.add.f32.msk $0xffff, v1  }
0x51: {  	[tilespmem:s26+$0x3210] =	vst.add.f32.msk $0xffff, v1  }
0x52: {  	[tilespmem:s26+$0x50] =	vst.add.f32.msk $0xffff, v2  }
0x53: {  	[tilespmem:s26+$0x3250] =	vst.add.f32.msk $0xffff, v2  }
0x54: {  	[tilespmem:s26+$0x90] =	vst.add.f32.msk $0xffff, v3  }
0x55: {  	[tilespmem:s26+$0x3290] =	vst.add.f32.msk $0xffff, v3  }
0x56: {  	[tilespmem:s26+$0xD0] =	vst.add.f32.msk $0xffff, v4  }
0x57: {  	[tilespmem:s26+$0x32D0] =	vst.add.f32.msk $0xffff, v4  }
0x58: {  	[tilespmem:s26+$0x110] =	vst.add.f32.msk $0xffff, v5  }
0x59: {  	[tilespmem:s26+$0x3310] =	vst.add.f32.msk $0xffff, v5  }
0x5a: {  	[tilespmem:s26+$0x150] =	vst.add.f32.msk $0xffff, v6  }
0x5b: {  	[tilespmem:s26+$0x3350] =	vst.add.f32.msk $0xffff, v6  }
0x5c: {  	[tilespmem:s26+$0x190] =	vst.add.f32.msk $0xffff, v7  }
0x5d: {  	[tilespmem:s26+$0x3390] =	vst.add.f32.msk $0xffff, v7  }
0x5e: {  	v0 =	vld [tilespmem:s28+$0x131E0]  }
0x5f: {  	v1 =	vld [tilespmem:s28+$0x13020]  }
0x60: {  	v2 =	vld [tilespmem:s28+$0x13060]  }
0x61: {  	v3 =	vld [tilespmem:s28+$0x130A0]  }
0x62: {  	v4 =	vld [tilespmem:s28+$0x130E0]  }
0x63: {  	v5 =	vld [tilespmem:s28+$0x13120]  }
0x64: {  	v6 =	vld [tilespmem:s28+$0x13160]  }
0x65: {  	v7 =	vld [tilespmem:s28+$0x131A0]  }
0x66: {  	[tilespmem:s26+$0x1E0] =	vst.add.f32.msk $0xffff, v0  }
0x67: {  	[tilespmem:s26+$0x33E0] =	vst.add.f32.msk $0xffff, v0  }
0x68: {  	[tilespmem:s26+$0x20] =	vst.add.f32.msk $0xffff, v1  }
0x69: {  	[tilespmem:s26+$0x3220] =	vst.add.f32.msk $0xffff, v1  }
0x6a: {  	[tilespmem:s26+$0x60] =	vst.add.f32.msk $0xffff, v2  }
0x6b: {  	[tilespmem:s26+$0x3260] =	vst.add.f32.msk $0xffff, v2  }
0x6c: {  	[tilespmem:s26+$0xA0] =	vst.add.f32.msk $0xffff, v3  }
0x6d: {  	[tilespmem:s26+$0x32A0] =	vst.add.f32.msk $0xffff, v3  }
0x6e: {  	[tilespmem:s26+$0xE0] =	vst.add.f32.msk $0xffff, v4  }
0x6f: {  	[tilespmem:s26+$0x32E0] =	vst.add.f32.msk $0xffff, v4  }
0x70: {  	[tilespmem:s26+$0x120] =	vst.add.f32.msk $0xffff, v5  }
0x71: {  	[tilespmem:s26+$0x3320] =	vst.add.f32.msk $0xffff, v5  }
0x72: {  	[tilespmem:s26+$0x160] =	vst.add.f32.msk $0xffff, v6  }
0x73: {  	[tilespmem:s26+$0x3360] =	vst.add.f32.msk $0xffff, v6  }
0x74: {  	[tilespmem:s26+$0x1A0] =	vst.add.f32.msk $0xffff, v7  }
0x75: {  	[tilespmem:s26+$0x33A0] =	vst.add.f32.msk $0xffff, v7  }
0x76: {  	v0 =	vld [tilespmem:s28+$0x131F0]  }
0x77: {  	v1 =	vld [tilespmem:s28+$0x13030]  }
0x78: {  	v2 =	vld [tilespmem:s28+$0x13070]  }
0x79: {  	v3 =	vld [tilespmem:s28+$0x130B0]  }
0x7a: {  	v4 =	vld [tilespmem:s28+$0x130F0]  }
0x7b: {  	v5 =	vld [tilespmem:s28+$0x13130]  }
0x7c: {  	v6 =	vld [tilespmem:s28+$0x13170]  }
0x7d: {  	v7 =	vld [tilespmem:s28+$0x131B0]  }
0x7e: {  	[tilespmem:s26+$0x33F0] =	vst.add.f32.msk $0xffff, v0  }
0x7f: {  	[tilespmem:s26+$0x30] =	vst.add.f32.msk $0xffff, v1  }
0x80: {  	[tilespmem:s26+$0x3230] =	vst.add.f32.msk $0xffff, v1  }
0x81: {  	[tilespmem:s26+$0x70] =	vst.add.f32.msk $0xffff, v2  }
0x82: {  	[tilespmem:s26+$0x3270] =	vst.add.f32.msk $0xffff, v2  }
0x83: {  	[tilespmem:s26+$0xB0] =	vst.add.f32.msk $0xffff, v3  }
0x84: {  	[tilespmem:s26+$0x32B0] =	vst.add.f32.msk $0xffff, v3  }
0x85: {  	[tilespmem:s26+$0xF0] =	vst.add.f32.msk $0xffff, v4  }
0x86: {  	[tilespmem:s26+$0x32F0] =	vst.add.f32.msk $0xffff, v4  }
0x87: {  	[tilespmem:s26+$0x130] =	vst.add.f32.msk $0xffff, v5  }
0x88: {  	[tilespmem:s26+$0x3330] =	vst.add.f32.msk $0xffff, v5  }
0x89: {  	s28 =	smul.u32 $0x19000, s24;
	[tilespmem:s26+$0x170] =	vst.add.f32.msk $0xffff, v6  }
0x8a: {  	[tilespmem:s26+$0x3370] =	vst.add.f32.msk $0xffff, v6  }
0x8b: {  	s28 =	sshrl.u32 s28, $0x2;
	[tilespmem:s26+$0x1B0] =	vst.add.f32.msk $0xffff, v7  }
0x8c: {  	s29 =	simm.s32 $0x0;
	s30 =	simm.s32 $0x800;
	s28 =	sadd.s32 $0x6800, s28;
	[tilespmem:s26+$0x33B0] =	vst.add.f32.msk $0xffff, v7  }
.LBB2_3:
0x8d: {  	s31 =	sshra.s32 s30, $0x2;
	[tilespmem:s26+$0x1F0] =	vst.add.f32.msk $0xffff, v0  }
0x8e: {  	v0 =	vld [tilespmem:s31+$0x131C0]  }
0x8f: {  	v1 =	vld [tilespmem:s31+$0x13000]  }
0x90: {  	s29 =	sadd.s32 $0x8, s29;
	v2 =	vld [tilespmem:s31+$0x13040]  }
0x91: {  	p1 =	slt.u32 s29, $0xC0;
	v3 =	vld [tilespmem:s31+$0x13080]  }
0x92: {  	s26 =	sadd.s32 s31, s25;
	v4 =	vld [tilespmem:s31+$0x130C0]  }
0x93: {  	[tilespmem:s26+$0x1C0] =	vst.add.f32.msk $0xffff, v0  }
0x94: {  	[tilespmem:s26+$0x33C0] =	vst.add.f32.msk $0xffff, v0  }
0x95: {  	v0 =	vld [tilespmem:s31+$0x131D0]  }
0x96: {  	v5 =	vld [tilespmem:s31+$0x13100]  }
0x97: {  	v6 =	vld [tilespmem:s31+$0x13140]  }
0x98: {  	v7 =	vld [tilespmem:s31+$0x13180]  }
0x99: {  	[tilespmem:s26+$0x0] =	vst.add.f32.msk $0xffff, v1  }
0x9a: {  	[tilespmem:s26+$0x1D0] =	vst.add.f32.msk $0xffff, v0  }
0x9b: {  	[tilespmem:s26+$0x33D0] =	vst.add.f32.msk $0xffff, v0  }
0x9c: {  	v0 =	vld [tilespmem:s31+$0x131E0]  }
0x9d: {  	[tilespmem:s26+$0x3200] =	vst.add.f32.msk $0xffff, v1  }
0x9e: {  	[tilespmem:s26+$0x40] =	vst.add.f32.msk $0xffff, v2  }
0x9f: {  	[tilespmem:s26+$0x3240] =	vst.add.f32.msk $0xffff, v2  }
0xa0: {  	[tilespmem:s26+$0x80] =	vst.add.f32.msk $0xffff, v3  }
0xa1: {  	[tilespmem:s26+$0x1E0] =	vst.add.f32.msk $0xffff, v0  }
0xa2: {  	[tilespmem:s26+$0x33E0] =	vst.add.f32.msk $0xffff, v0  }
0xa3: {  	v0 =	vld [tilespmem:s31+$0x131F0]  }
0xa4: {  	[tilespmem:s26+$0x3280] =	vst.add.f32.msk $0xffff, v3  }
0xa5: {  	[tilespmem:s26+$0xC0] =	vst.add.f32.msk $0xffff, v4  }
0xa6: {  	[tilespmem:s26+$0x32C0] =	vst.add.f32.msk $0xffff, v4  }
0xa7: {  	[tilespmem:s26+$0x100] =	vst.add.f32.msk $0xffff, v5  }
0xa8: {  	[tilespmem:s26+$0x33F0] =	vst.add.f32.msk $0xffff, v0  }
0xa9: {  	[tilespmem:s26+$0x3300] =	vst.add.f32.msk $0xffff, v5  }
0xaa: {  	[tilespmem:s26+$0x140] =	vst.add.f32.msk $0xffff, v6  }
0xab: {  	[tilespmem:s26+$0x3340] =	vst.add.f32.msk $0xffff, v6  }
0xac: {  	[tilespmem:s26+$0x180] =	vst.add.f32.msk $0xffff, v7  }
0xad: {  	[tilespmem:s26+$0x3380] =	vst.add.f32.msk $0xffff, v7  }
0xae: {  	v1 =	vld [tilespmem:s31+$0x13010]  }
0xaf: {  	v2 =	vld [tilespmem:s31+$0x13050]  }
0xb0: {  	v3 =	vld [tilespmem:s31+$0x13090]  }
0xb1: {  	v4 =	vld [tilespmem:s31+$0x130D0]  }
0xb2: {  	v5 =	vld [tilespmem:s31+$0x13110]  }
0xb3: {  	v6 =	vld [tilespmem:s31+$0x13150]  }
0xb4: {  	v7 =	vld [tilespmem:s31+$0x13190]  }
0xb5: {  	[tilespmem:s26+$0x10] =	vst.add.f32.msk $0xffff, v1  }
0xb6: {  	[tilespmem:s26+$0x3210] =	vst.add.f32.msk $0xffff, v1  }
0xb7: {  	[tilespmem:s26+$0x50] =	vst.add.f32.msk $0xffff, v2  }
0xb8: {  	[tilespmem:s26+$0x3250] =	vst.add.f32.msk $0xffff, v2  }
0xb9: {  	[tilespmem:s26+$0x90] =	vst.add.f32.msk $0xffff, v3  }
0xba: {  	[tilespmem:s26+$0x3290] =	vst.add.f32.msk $0xffff, v3  }
0xbb: {  	[tilespmem:s26+$0xD0] =	vst.add.f32.msk $0xffff, v4  }
0xbc: {  	[tilespmem:s26+$0x32D0] =	vst.add.f32.msk $0xffff, v4  }
0xbd: {  	[tilespmem:s26+$0x110] =	vst.add.f32.msk $0xffff, v5  }
0xbe: {  	[tilespmem:s26+$0x3310] =	vst.add.f32.msk $0xffff, v5  }
0xbf: {  	[tilespmem:s26+$0x150] =	vst.add.f32.msk $0xffff, v6  }
0xc0: {  	[tilespmem:s26+$0x3350] =	vst.add.f32.msk $0xffff, v6  }
0xc1: {  	[tilespmem:s26+$0x190] =	vst.add.f32.msk $0xffff, v7  }
0xc2: {  	[tilespmem:s26+$0x3390] =	vst.add.f32.msk $0xffff, v7  }
0xc3: {  	v1 =	vld [tilespmem:s31+$0x13020]  }
0xc4: {  	v2 =	vld [tilespmem:s31+$0x13060]  }
0xc5: {  	v3 =	vld [tilespmem:s31+$0x130A0]  }
0xc6: {  	v4 =	vld [tilespmem:s31+$0x130E0]  }
0xc7: {  	v5 =	vld [tilespmem:s31+$0x13120]  }
0xc8: {  	v6 =	vld [tilespmem:s31+$0x13160]  }
0xc9: {  	v7 =	vld [tilespmem:s31+$0x131A0]  }
0xca: {  	[tilespmem:s26+$0x20] =	vst.add.f32.msk $0xffff, v1  }
0xcb: {  	[tilespmem:s26+$0x3220] =	vst.add.f32.msk $0xffff, v1  }
0xcc: {  	[tilespmem:s26+$0x60] =	vst.add.f32.msk $0xffff, v2  }
0xcd: {  	[tilespmem:s26+$0x3260] =	vst.add.f32.msk $0xffff, v2  }
0xce: {  	[tilespmem:s26+$0xA0] =	vst.add.f32.msk $0xffff, v3  }
0xcf: {  	[tilespmem:s26+$0x32A0] =	vst.add.f32.msk $0xffff, v3  }
0xd0: {  	[tilespmem:s26+$0xE0] =	vst.add.f32.msk $0xffff, v4  }
0xd1: {  	[tilespmem:s26+$0x32E0] =	vst.add.f32.msk $0xffff, v4  }
0xd2: {  	[tilespmem:s26+$0x120] =	vst.add.f32.msk $0xffff, v5  }
0xd3: {  	[tilespmem:s26+$0x3320] =	vst.add.f32.msk $0xffff, v5  }
0xd4: {  	[tilespmem:s26+$0x160] =	vst.add.f32.msk $0xffff, v6  }
0xd5: {  	[tilespmem:s26+$0x3360] =	vst.add.f32.msk $0xffff, v6  }
0xd6: {  	[tilespmem:s26+$0x1A0] =	vst.add.f32.msk $0xffff, v7  }
0xd7: {  	[tilespmem:s26+$0x33A0] =	vst.add.f32.msk $0xffff, v7  }
0xd8: {  	v1 =	vld [tilespmem:s31+$0x13030]  }
0xd9: {  	v2 =	vld [tilespmem:s31+$0x13070]  }
0xda: {  	v3 =	vld [tilespmem:s31+$0x130B0]  }
0xdb: {  	v4 =	vld [tilespmem:s31+$0x130F0]  }
0xdc: {  	v5 =	vld [tilespmem:s31+$0x13130]  }
0xdd: {  	v6 =	vld [tilespmem:s31+$0x13170]  }
0xde: {  	v7 =	vld [tilespmem:s31+$0x131B0]  }
0xdf: {  	[tilespmem:s26+$0x30] =	vst.add.f32.msk $0xffff, v1  }
0xe0: {  	[tilespmem:s26+$0x3230] =	vst.add.f32.msk $0xffff, v1  }
0xe1: {  	[tilespmem:s26+$0x70] =	vst.add.f32.msk $0xffff, v2  }
0xe2: {  	[tilespmem:s26+$0x3270] =	vst.add.f32.msk $0xffff, v2  }
0xe3: {  	[tilespmem:s26+$0xB0] =	vst.add.f32.msk $0xffff, v3  }
0xe4: {  	[tilespmem:s26+$0x32B0] =	vst.add.f32.msk $0xffff, v3  }
0xe5: {  	[tilespmem:s26+$0xF0] =	vst.add.f32.msk $0xffff, v4  }
0xe6: {  	[tilespmem:s26+$0x32F0] =	vst.add.f32.msk $0xffff, v4  }
0xe7: {  	[tilespmem:s26+$0x130] =	vst.add.f32.msk $0xffff, v5  }
.Ltmp0:
0xe8: {  	[tilespmem:s26+$0x3330] =	vst.add.f32.msk $0xffff, v5;
	(pc) =	sbr.rel @p1 .LBB2_3-.Ltmp0, $4  }
0xe9: {  	[tilespmem:s26+$0x170] =	vst.add.f32.msk $0xffff, v6  }
0xea: {  	[tilespmem:s26+$0x3370] =	vst.add.f32.msk $0xffff, v6  }
0xeb: {  	[tilespmem:s26+$0x1B0] =	vst.add.f32.msk $0xffff, v7  }
0xec: {  	s30 =	sadd.s32 $0x800, s30;
	[tilespmem:s26+$0x33B0] =	vst.add.f32.msk $0xffff, v7  }
0xed: {  	s25 =	smul.u32 $0x190, s23;
	s23 =	sadd.s32 $0x1, s23  }
0xee: {  	p1 =	sne.s32 s23, $0x40  }
.Ltmp1:
0xef: {  	_ = 	snop;
	(pc) =	sbr.rel @p1 .LBB2_2-.Ltmp1, $4  }
0xf0: {  	s25 =	sadd.s32 s6, s25  }
0xf1: {  	s25 =	sshll.u32 s25, $0x4  }
0xf2: {  	[tilespmem:s26+$0x1F0] =	vst.add.f32.msk $0xffff, v0;
	s24 =	sadd.s32 $0x3, s24;
	p0 =	por !p0, !p0;
	s25 =	sadd.s32 s5, s25  }
0xf3: {  	[hbm4b:s25+s19] =	stream.strided.scatter [tilespmem:s28], [sflag:s24], $0x6400, s20, s19, $0x38;
	[tilespmem:$0x16200] =	vst v63  }
0xf4: {  	s22 =	sadd.s32 $0x1, s22  }
0xf5: {  	p0 =	sne.s32 s22, s8  }
.Ltmp2:
0xf6: {  	_ = 	snop;
	(pc) =	sbr.rel @p0 .LBB2_1-.Ltmp2, $4  }
0xf7: {  	_ = 	snop  }
0xf8: {  	_ =	swait.ge [sflag:s21], $0x6400  }
0xf9: {  	[sflag:s21] =	ssyncset.done $0x0  }
0xfa: {  	[sflag:s21] =	ssyncadd.s32 $0xFFFF9C00  }
0xfb: {  	_ =	sfence.sel $0x180000  }
0xfc: {  	[bflag:$0x0] =	sbarrier.arrive $0xFFFF  }
0xfd: {  	p0 =	sne.s32 s0, $0x0;
	_ =	strace $0x90000047  }
0xfe: {  	s0 =	sadd.s32 @!p0 $0x100000, s1;
	[bflag:$0x2] =	sbarrier.arrive $0xFFFF  }
0xff: {  	[sflag:s0] =	ssyncadd.tile.s32 @!p0 $0x1;
	_ =	shalt  }
.Lfunc_end2:
_tile_overlayer_lowered:
.L_overlay_start_2:
0x100: {  	(tag) =	ssettag $0x2  }
0x101: {  	s0 =	rddreg [dreg:$0x0];
	s2 =	stileid.u32  }
0x102: {  	s1 =	rddreg [dreg:$0x1];
	p0 =	sne.s32 s2, $0x0  }
0x103: {  	s3 =	rddreg [dreg:$0x2];
	[bflag:$0x3] =	sbarrier.arrive $0xFFFF;
	s2 =	simm.s32 @!p0 $0x1C05  }
0x104: {  	[timem:s3], [sflag:s2] =	dma.local @!p0 [hbm:s0], s1  }
0x105: {  	s0 =	simm.s32 @!p0 $0x5  }
0x106: {  	_ =	swait.ge @!p0 [sflag:s0], s1  }
0x107: {  	s1 =	ssub.s32 @!p0 $0x0, s1;
	[sflag:s0] =	ssyncset.done @!p0 $0x0  }
0x108: {  	[sflag:s0] =	ssyncadd.s32 @!p0 s1  }
0x109: {  	[bflag:$0x3] =	sbarrier.arrive $0xFFFF  }
0x10a: {  	_ =	shalt  }

// kernel: sparse-core-data-format-call.cloned.1.call-start
scs
called_computation_lowered:
.L_overlay_start_0:
0x0: {  	s2 =	sld [smem:$0x3FD9]  }
0x1: {  	s3 =	sld [smem:$0x3FFE];
	_ =	sdelay $0x1  }
0x2: {  	s1 =	srdreg.scid  }
0x3: {  	s0 =	sand.u32 $0x1, s1  }
0x4: {  	s18 =	sshll.u32 s0, $0xA;
	s2 =	sadd.s32 s3, s2  }
0x5: {  	s2 =	sadd.s32 s2, s18  }
0x6: {  	[smem:$0x3FC5] =	sst s2  }
0x7: {  	_ = 	snop  }
0x8: {  	s2 =	sld [smem:$0x3FD0];
	(tm) =	ssettm $0x1  }
0x9: {  	s19 =	sld [smem:$0x3FFB];
	_ =	sdelay $0x3  }
0xa: {  	_ =	strace s19  }
0xb: {  	s3 =	sld [smem:$0x3FFC];
	_ =	sdelay $0x3  }
0xc: {  	_ =	strace s3  }
0xd: {  	s3 =	sld [smem:$0x3FFD];
	_ =	sdelay $0x3  }
0xe: {  	_ =	strace s3  }
0xf: {  	_ =	strace $0x8FFFFFFF  }
0x10: {  	s20 =	sld [smem:$0x3FDB];
	_ =	sdelay $0x1  }
0x11: {  	s4 =	simm.s32 $_scs_section_size  }
0x12: {  	s5 =	simm.s32 $_size__tile_overlayer_lowered;
	s6 =	simm.s32 $_tile_overlayer_lowered  }
0x13: {  	s23 =	simm.s32 $0x1BFF;
	s22 =	sshll.u32 s6, $0x1;
	s3 =	sadd.s32 s4, s20  }
0x14: {  	s7 =	simm.s32 $0x0;
	s21 =	sshll.u32 s5, $0x1;
	s5 =	sadd.s32 s22, s3  }
0x15: {  	[timem:s7], [sflag:s23] =	dma.local [hbm:s5], s21  }
0x16: {  	_ =	swait.ge [sflag:s23], s21  }
0x17: {  	s4 =	ssub.s32 $0x0, s21;
	[sflag:s23] =	ssyncset.done $0x0  }
0x18: {  	[sflag:s23] =	ssyncadd.s32 s4;
	_ =	sdelay $0x1  }
0x19: {  	s24 =	simm.s32 $0x1B8B  }
0x1a: {  	_ =	swait.ge [sflag:s24], $0x1  }
0x1b: {  	[sflag:s24] =	ssyncset.done $0x0  }
0x1c: {  	s26 =	simm.s32 $0x1B8E;
	s25 =	sld [smem:$0x3FFE];
	[sflag:s24] =	ssyncadd.s32 $0xFFFFFFFF  }
0x1d: {  	s27 =	simm.s32 $execute0_lowered;
	[smem:$0x3FD2] =	sst s26  }
0x1e: {  	s5 =	sshll.u32 s27, $0x1;
	_ =	strace $0x80000049;
	[dreg:$0x1] =	wrdreg $0xFFFFFFFF  }
0x1f: {  	s28 =	simm.s32 $_size_execute0_lowered;
	s3 =	sadd.s32 s3, s5;
	[dreg:$0x0] =	wrdreg $0x0  }
0x20: {  	s5 =	sshll.u32 s28, $0x1;
	[dreg:$0x2] =	wrdreg s3  }
0x21: {  	[dreg:$0x3] =	wrdreg s5  }
0x22: {  	[dreg:$0x4] =	wrdreg $0xC0  }
0x23: {  	_ =	task [dreg:s7], $0x5FFFF  }
0x24: {  	[dreg:$0x1] =	wrdreg $0xFFFFFFFF  }
0x25: {  	[dreg:$0x0] =	wrdreg $0x60  }
0x26: {  	[dreg:$0x2] =	wrdreg s25  }
0x27: {  	[dreg:$0x3] =	wrdreg s2  }
0x28: {  	[dreg:$0x4] =	wrdreg $0x9  }
0x29: {  	_ =	task.clear_ibuf [dreg:s7], $0x5FFFF;
	_ =	strace $0x90000049  }
0x2a: {  	s29 =	simm.s32 $0x9;
	_ =	strace $0x8000004B  }
0x2b: {  	_ =	swait.ge [sflag:s29], $0x1  }
0x2c: {  	[sflag:s29] =	ssyncadd.s32 $0xFFFFFFFF  }
0x2d: {  	_ =	strace $0x9000004B  }
0x2e: {  	_ =	sfence  }
0x2f: {  	s30 =	sld [smem:$0x0];
	_ =	sdelay $0x2  }
0x30: {  	s31 =	sshll.u32 s1, $0xD;
	s1 =	sshrl.u32 s1, $0x2  }
0x31: {  	s3 =	sand.u32 $0x4000, s31;
	s1 =	sadd.s32 s1, s30  }
0x32: {  	s0 =	sor.u32 s3, s0;
	s1 =	sshll.u32 s1, $0x11  }
0x33: {  	s0 =	sor.u32 s1, s0  }
0x34: {  	s0 =	sadd.s32 $0x8F2B, s0  }
0x35: {  	[sflag:s0] =	ssyncadd.remote.s32 $0x1  }
0x36: {  	_ =	sfence.sel $0xFFFF  }
0x37: {  	[dreg:$0x0] =	wrdreg $0xFFFFFFFF;
	(pc) =	sbr.abs _section_cstart, $3  }
0x38: {  	[dreg:$0x1] =	wrdreg $0xFFFFFFFF  }
0x39: {  	_ =	task.clear_ibuf [dreg:s7], $0x2FFFF;
	_ =	strace $0x9FFFFFFF  }
0x3a: {  	(tm) =	ssettm $0x7FFFFFFF  }
0x3b: {  	_ =	shalt  }
tec
execute0_lowered:
.L_overlay_start_1:
0x0: {  	(tag) =	ssettag $0x1  }
0x1: {  	s0 =	srdreg.scid  }
0x2: {  	s1 =	sshll.u32 s0, $0x4  }
0x3: {  	s0 =	stileid.u32;
	s1 =	sand.u32 $0x10, s1  }
0x4: {  	s1 =	sor.u32 s0, s1  }
0x5: {  	s6 =	rddreg [dreg:$0x0];
	s4 =	simm.s32 $0x1;
	s2 =	sshll.u32 s1, $0x7  }
0x6: {  	s7 =	simm.s32 $0x2;
	s12 =	simm.s32 $0x0;
	s1 =	ssub.s32 $0x1000, s2  }
0x7: {  	s8 =	simm.s32 $0x8000;
	s13 =	simm.s32 $0x0;
	s3 =	sand.u32 $0xF80, s1  }
0x8: {  	s9 =	simm.s32 $0x0;
	s5 =	sshrl.u32 s1, $0xC;
	p0 =	sne.s32 s3, $0x0  }
.Ltmp0:
0x9: {  	s1 =	rddreg [dreg:$0x2];
	s4 =	simm.s32 @!p0 $0x0;
	(pc) =	sbr.rel .LBB1_1-.Ltmp0, $4  }
0xa: {  	s11 =	simm.s32 $0x0;
	s3 =	rddreg [dreg:$0x1];
	s5 =	sadd.s32 s4, s5  }
0xb: {  	_ =	strace $0x8000004A;
	s4 =	simm.s32 $0x1;
	s5 =	smul.u32 $0xC8, s5  }
0xc: {  	s6 =	sadd.s32 $0xDE800, s6;
	s10 =	smov.u32 s2;
	[sflag:s4] =	ssyncpa.u1 $0x0  }
0xd: {  	p0 =	por $0x0, $0x0;
	[sflag:s7] =	ssyncpa.u1 $0x0;
	s7 =	sor.u32 $0x1, s5  }
.LBB1_4:
0xe: {  	s16 =	sshll.u32 s13, $0x3;
	s17 =	sand.u32 $0x78, s13  }
0xf: {  	s30 =	sand.u32 $0x7E00, s13;
	s12 =	sshll.u32 s12, $0xF;
	s16 =	sand.u32 $0xC00, s16  }
0x10: {  	[tilespmem:s15+$0x810 ss:$0x81] =	vst.msk $0xffff, v2;
	s31 =	sand.u32 $0x7, s13;
	s16 =	sor.u32 s17, s16;
	s17 =	sadd.s32 s3, s30  }
0x11: {  	[tilespmem:s15+$0x1020 ss:$0x81] =	vst.msk $0xffff, v0;
	s13 =	sshll.u32 s31, $0x12;
	s12 =	sadd.s32 s12, s17;
	s16 =	sshrl.u32 s16, $0x3  }
0x12: {  	[tilespmem:s15+$0x0 ss:$0x81] =	vst.msk $0xffff, v1;
	s13 =	sor.u32 $0x400, s13;
	s12 =	sadd.s32 s16, s12  }
0x13: {  	[hbm4b:s12+s13] =	stream.strided.scatter [tilespmem:s14], [sflag:$0x2], $0x2000, s8, s13, $0x20;
	[tilespmem:$0x8080] =	vst v63  }
.LBB1_5:
0x14: {  	s14 =	sadd.s32 $0x1, s9  }
0x15: {  	s12 =	sadd.s32 $0x1000, s10;
	s16 =	smov.u32 s10;
	p2 =	sgt.s32 s14, $0xC7  }
0x16: {  	s16 =	smov.u32 @p2 s12  }
0x17: {  	s14 =	simm.s32 @p2 $0x0;
	p2 =	sgt.s32 s16, $0xFFF  }
0x18: {  	s16 =	smov.u32 @p2 s2;
	p2 =	sne.s32 s11, s7  }
.Ltmp1:
0x19: {  	p1 =	slt.u32 s11, $0x2;
	(pc) =	sbr.rel @!p2 .LBB1_6-.Ltmp1, $4  }
0x1a: {  	s15 =	simm.s32 @!p1 $0x2  }
0x1b: {  	s13 =	smov.u32 s10;
	p0 =	por !p0, !p0;
	_ =	swait.ge @!p1 [sflag:s15], $0x2000  }
0x1c: {  	s12 =	smov.u32 s9;
	[sflag:s15] =	ssyncset.done @!p1 $0x0;
	s9 =	smov.u32 s14  }
0x1d: {  	s11 =	sadd.s32 $0x1, s11;
	[sflag:s15] =	ssyncadd.s32 @!p1 $0xFFFFE000;
	s10 =	smov.u32 s16  }
.LBB1_1:
0x1e: {  	p1 =	sge.u32 s11, s5  }
0x1f: {  	s14 =	sand.u32 @!p1 $0x1FFFFFF, s9  }
0x20: {  	s15 =	smulhi.u32 @!p1 $0x147AE15, s14;
	_ =	sdelay $0x1  }
0x21: {  	s15 =	smul.u32 @!p1 $0xC8, s15  }
0x22: {  	s16 =	sxor.u32 @!p1 $0xFFFFFFFF, s11;
	s17 =	smul.u32 @!p1 $0xC80, s10  }
0x23: {  	s31 =	sadd.s32 $0xFFFFFFFF, s11;
	s16 =	sshll.u32 @!p1 s16, $0xD;
	s14 =	ssub.s32 @!p1 s14, s15  }
0x24: {  	s15 =	sand.u32 @!p1 $0x2000, s16;
	s16 =	sadd.s32 @!p1 s6, s17;
	s14 =	sshll.u32 @!p1 s14, $0x4  }
0x25: {  	s17 =	simm.s32 @!p1 $0x6400;
	s14 =	sadd.s32 @!p1 s14, s16;
	s16 =	simm.s32 @!p1 $0x40  }
0x26: {  	[tilespmem:s15], [sflag:$0x1] =	stream.strided.gather @!p1 [hbm4b:s14+s16], $0x2000, s17, s16, $0x38;
	[tilespmem:$0x8080] =	vst v63  }
0x27: {  	p1 =	sge.u32 s31, s5  }
.Ltmp2:
0x28: {  	_ = 	snop;
	(pc) =	sbr.rel @p1 .LBB1_5-.Ltmp2, $1  }
0x29: {  	_ =	sdelay $0x3  }
0x2a: {  	s14 =	simm.s32 $0x1  }
0x2b: {  	_ =	swait.ge [sflag:s4], $0x2000;
	s14 =	simm.s32 @!p0 $0x0  }
0x2c: {  	[sflag:s4] =	ssyncset.done $0x0;
	s15 =	sshll.u32 s14, $0xD  }
0x2d: {  	[sflag:s4] =	ssyncadd.s32 $0xFFFFE000;
	s18 =	sor.u32 $0x20, s15  }
0x2e: {  	s14 =	smul.u32 $0x8100, s14;
	v3 =	vld [tilespmem:s18+$0x10]  }
0x2f: {  	s30 =	sand.u32 $0x1, s11;
	v2 =	vld [tilespmem:s18+$0xFFFFFFF0]  }
0x30: {  	s15 =	smul.u32 $0x8100, s30;
	s14 =	sshrl.u32 s14, $0x2;
	v0 =	vld [tilespmem:s18+$0x0]  }
0x31: {  	v1 =	vld [tilespmem:s18+$0xFFFFFFE0];
	s16 =	sor.u32 $0x4000, s14  }
0x32: {  	s31 =	sshrl.u32 s15, $0x2;
	s15 =	sadd.s32 $0x0, s16  }
0x33: {  	s17 =	simm.s32 $0x4;
	s18 =	sadd.s32 $0x40, s18;
	s14 =	sor.u32 $0x4000, s31;
	[tilespmem:s15+$0x1830 ss:$0x81] =	vst.msk $0xffff, v3  }
.LBB1_3:
0x34: {  	v3 =	vld [tilespmem:s18+$0x10];
	p1 =	sne.s32 s17, $0x1FC;
	[tilespmem:s15+$0x810 ss:$0x81] =	vst.msk $0xffff, v2;
	s19 =	smov.u32 s17;
	s17 =	sadd.s32 $0x4, s17  }
.Ltmp3:
0x35: {  	v2 =	vld [tilespmem:s18+$0xFFFFFFF0];
	[tilespmem:s15+$0x1020 ss:$0x81] =	vst.msk $0xffff, v0;
	(pc) =	sbr.rel @p1 .LBB1_3-.Ltmp3, $4  }
0x36: {  	v0 =	vld [tilespmem:s18+$0x0];
	[tilespmem:s15+$0x0 ss:$0x81] =	vst.msk $0xffff, v1  }
0x37: {  	s15 =	sshra.s32 s19, $0x2;
	v1 =	vld [tilespmem:s18+$0xFFFFFFE0]  }
0x38: {  	s15 =	sadd.s32 s15, s16  }
0x39: {  	s18 =	sadd.s32 $0x40, s18;
	[tilespmem:s15+$0x1830 ss:$0x81] =	vst.msk $0xffff, v3  }
.Ltmp4:
0x3a: {  	_ = 	snop;
	(pc) =	sbr.rel .LBB1_4-.Ltmp4, $1  }
0x3b: {  	_ =	sdelay $0x3  }
.LBB1_6:
0x3c: {  	_ =	sfence.sel $0x180000  }
0x3d: {  	s2 =	simm.s32 $0x1;
	[bflag:$0x0] =	sbarrier.arrive $0xFFFF  }
0x3e: {  	s31 =	simm.s32 $0x2;
	[sflag:s2] =	ssyncpa.u1 $0x1  }
0x3f: {  	[sflag:s31] =	ssyncpa.u1 $0x1  }
0x40: {  	p0 =	sne.s32 s0, $0x0;
	_ =	strace $0x9000004A  }
0x41: {  	s0 =	sadd.s32 @!p0 $0x100000, s1;
	[bflag:$0x2] =	sbarrier.arrive $0xFFFF  }
0x42: {  	[sflag:s0] =	ssyncadd.tile.s32 @!p0 $0x1;
	_ =	shalt  }
.Lfunc_end1:
_tile_overlayer_lowered:
.L_overlay_start_2:
0x43: {  	(tag) =	ssettag $0x2  }
0x44: {  	s0 =	rddreg [dreg:$0x0];
	s2 =	stileid.u32  }
0x45: {  	s1 =	rddreg [dreg:$0x1];
	p0 =	sne.s32 s2, $0x0  }
0x46: {  	s3 =	rddreg [dreg:$0x2];
	[bflag:$0x3] =	sbarrier.arrive $0xFFFF;
	s2 =	simm.s32 @!p0 $0x1C01  }
0x47: {  	[timem:s3], [sflag:s2] =	dma.local @!p0 [hbm:s0], s1  }
0x48: {  	s0 =	simm.s32 @!p0 $0x1  }
0x49: {  	_ =	swait.ge @!p0 [sflag:s0], s1  }
0x4a: {  	s1 =	ssub.s32 @!p0 $0x0, s1;
	[sflag:s0] =	ssyncset.done @!p0 $0x0  }
0x4b: {  	[sflag:s0] =	ssyncadd.s32 @!p0 s1  }
0x4c: {  	[bflag:$0x3] =	sbarrier.arrive $0xFFFF  }
0x4d: {  	_ =	shalt  }

</sc_bundles>
